<compile_context>
chip_gen: v7x
topology: tpu7x:2x2x1
jax: 0.10.2.dev20260603
libtpu: 0.0.44.dev20260713+nightly
codegen_flags: <defaults>
</compile_context>

<pallas_src>
import jax
import jax.numpy as jnp
from jax.experimental import pallas as pl
from jax.experimental.pallas import tpu as pltpu

E = 64
D = 768
DFF = 1536
LANE = 128


def _gelu_exact(x):
    return 0.5 * x * (1.0 + jax.lax.erf(x * 0.7071067811865476))


def _router_body(x_ref, wg_ref, logits_ref, sel_ref, counts_ref, aux_ref):
    x = x_ref[...]
    wg = wg_ref[...]
    logits = jnp.dot(x, wg, preferred_element_type=jnp.float32)
    logits_ref[...] = logits
    t = logits.shape[0]
    iota = jax.lax.broadcasted_iota(jnp.int32, (t, E), 1)
    rowmax = jnp.max(logits, axis=1, keepdims=True)
    ismax = logits == rowmax
    sel = jnp.min(jnp.where(ismax, iota, E), axis=1, keepdims=True)
    sel_ref[...] = sel
    onehot = (iota == sel).astype(jnp.float32)
    counts = jnp.sum(onehot, axis=0, keepdims=True)
    counts_ref[...] = counts.astype(jnp.int32)
    ex = jnp.exp(logits - rowmax)
    sumex = jnp.sum(ex, axis=1, keepdims=True)
    acc = jnp.sum(ex / sumex, axis=0, keepdims=True)
    lse = rowmax + jnp.log(sumex)
    z = jnp.sum(lse * lse) / t
    acc_n = acc / jnp.maximum(jnp.sum(jnp.abs(acc)), 1e-12)
    freq_n = counts / jnp.maximum(jnp.sum(jnp.abs(counts)), 1e-12)
    switch = E * jnp.sum(acc_n * freq_n)
    aux_ref[...] = jnp.reshape(switch + 0.1 * z, (1, 1))


def _ffn_body(ge_ref, gt_ref, starts_ref, counts_ref, xs_ref, wfc_ref,
              bfc_ref, wproj_ref, bproj_ref, out_ref, xT_scr, sortedT_scr):
    g = pl.program_id(0)
    ng = pl.num_programs(0)

    @pl.when(g == 0)
    def _():
        xT_scr[...] = jnp.transpose(xs_ref[...])

    e = ge_ref[g]
    s = starts_ref[e]
    c = counts_ref[e]
    base = pl.multiple_of(gt_ref[g] * LANE, LANE)
    xt = xT_scr[:, pl.ds(base, LANE)]
    wfc = wfc_ref[...]
    wproj = wproj_ref[...]
    oh = (jax.lax.broadcasted_iota(jnp.int32, (E, 1), 0) == e
          ).astype(jnp.float32)
    bfc = jnp.dot(bfc_ref[...], oh, preferred_element_type=jnp.float32)
    bproj = jnp.dot(bproj_ref[...], oh, preferred_element_type=jnp.float32)
    h = jnp.dot(wfc, xt, preferred_element_type=jnp.float32) + bfc
    h = _gelu_exact(h)
    o = jnp.dot(wproj, h, preferred_element_type=jnp.float32) + bproj
    col = base + jax.lax.broadcasted_iota(jnp.int32, (1, LANE), 1)
    m = (col >= s) & (col < s + c)
    sortedT_scr[:, pl.ds(base, LANE)] = jnp.where(
        m, o, sortedT_scr[:, pl.ds(base, LANE)])

    @pl.when(g == ng - 1)
    def _():
        out_ref[...] = jnp.transpose(sortedT_scr[...])


def kernel(hidden_states, W_gate, W_fc, b_fc, W_proj, b_proj):
    b, s_len, _ = hidden_states.shape
    x = hidden_states.reshape(-1, D)
    t = x.shape[0]
    num_tiles = t // LANE
    grid_sz = num_tiles + E - 1

    logits, sel, counts, aux = pl.pallas_call(
        _router_body,
        out_shape=(
            jax.ShapeDtypeStruct((t, E), jnp.float32),
            jax.ShapeDtypeStruct((t, 1), jnp.int32),
            jax.ShapeDtypeStruct((1, E), jnp.int32),
            jax.ShapeDtypeStruct((1, 1), jnp.float32),
        ),
    )(x, W_gate)

    sel1 = sel[:, 0]
    counts1 = counts[0]
    order = jnp.argsort(sel1)
    starts = (jnp.cumsum(counts1) - counts1).astype(jnp.int32)
    x_sorted = x[order]

    ends = starts + counts1
    ntiles = jnp.where(counts1 > 0,
                       (ends - 1) // LANE - starts // LANE + 1, 0)
    offs = jnp.cumsum(ntiles)
    total = offs[-1]
    gidx = jnp.arange(grid_sz, dtype=jnp.int32)
    ge = jnp.searchsorted(offs, gidx, side="right").astype(jnp.int32)
    ge = jnp.minimum(ge, E - 1)
    first_of_e = offs[ge] - ntiles[ge]
    gt = starts[ge] // LANE + (gidx - first_of_e)
    last = (total - 1).astype(jnp.int32)
    ge = jnp.where(gidx <= last, ge, ge[last])
    gt = jnp.where(gidx <= last, gt, gt[last]).astype(jnp.int32)

    grid_spec = pltpu.PrefetchScalarGridSpec(
        num_scalar_prefetch=4,
        grid=(grid_sz,),
        in_specs=[
            pl.BlockSpec((t, D),
                         lambda g, ge_r, gt_r, s_r, c_r: (0, 0)),
            pl.BlockSpec((DFF, D),
                         lambda g, ge_r, gt_r, s_r, c_r: (0, ge_r[g])),
            pl.BlockSpec((DFF, E),
                         lambda g, ge_r, gt_r, s_r, c_r: (0, 0)),
            pl.BlockSpec((D, DFF),
                         lambda g, ge_r, gt_r, s_r, c_r: (0, ge_r[g])),
            pl.BlockSpec((D, E),
                         lambda g, ge_r, gt_r, s_r, c_r: (0, 0)),
        ],
        out_specs=pl.BlockSpec((t, D),
                               lambda g, ge_r, gt_r, s_r, c_r: (0, 0)),
        scratch_shapes=[
            pltpu.VMEM((D, t), jnp.float32),
            pltpu.VMEM((D, t), jnp.float32),
        ],
    )
    h_rows = pl.pallas_call(
        _ffn_body,
        grid_spec=grid_spec,
        out_shape=jax.ShapeDtypeStruct((t, D), jnp.float32),
    )(ge, gt, starts, counts1, x_sorted,
      W_fc.reshape(DFF, E * D), b_fc,
      W_proj.reshape(D, E * DFF), b_proj)

    out = jnp.zeros((t, D), jnp.float32).at[order].set(
        h_rows, unique_indices=True)
    return out.reshape(b, s_len, D), logits, aux[0, 0]

# --- scband reference (transcript-rebuilt; emitter-appended) ---
"""Pipeline reference for scband-sparse-mo-e-58136677318851 (READ-ONLY COPY).

The authoritative reference and input builder live on the scoring server;
editing this copy changes nothing except your own understanding.
"""

import jax, jax.numpy as jnp
import numpy as np

E = 64
TOPK = 1
D = 768
DFF = 1536
B, S = 1, 2048


def setup_inputs(seed: int = 0) -> dict:
    key = jax.random.key(seed)
    ks = jax.random.split(key, 5)
    hidden_states = jax.random.normal(ks[0], (B, S, D), dtype=jnp.float32)
    W_gate = jax.random.normal(ks[1], (D, E), dtype=jnp.float32) * 0.02
    W_fc = jax.random.normal(ks[2], (DFF, E, D), dtype=jnp.float32) * 0.02
    b_fc = jnp.zeros((DFF, E), dtype=jnp.float32)
    W_proj = jax.random.normal(ks[3], (D, E, DFF), dtype=jnp.float32) * 0.004
    b_proj = jnp.zeros((D, E), dtype=jnp.float32)
    return {"hidden_states": hidden_states, "W_gate": W_gate, "W_fc": W_fc,
            "b_fc": b_fc, "W_proj": W_proj, "b_proj": b_proj}


def reference(hidden_states, W_gate, W_fc, b_fc, W_proj, b_proj):
    b, s, _ = hidden_states.shape
    x = hidden_states.reshape(-1, D)
    T = x.shape[0]
    # gate (transposed linear, no bias)
    router_logits = x @ W_gate
    # top-k selection (top_k == 1 -> max)
    if TOPK == 1:
        topv = jnp.max(router_logits, axis=-1, keepdims=True)
        topi = jnp.argmax(router_logits, axis=-1)[:, None]
    else:
        topv, topi = jax.lax.top_k(router_logits, TOPK)
    router_weights = jax.nn.softmax(topv.astype(jnp.float32), axis=-1).astype(x.dtype)
    # expert assignment
    sel = topi.reshape(-1)
    counts = jnp.bincount(sel, length=E)
    order = jnp.argsort(sel)  # stable
    batch_index = order // TOPK
    batch_gates = router_weights.reshape(-1)[order]
    expert_inputs = x[batch_index]
    sel_sorted = sel[order]
    h = jnp.zeros((T * TOPK, D), dtype=x.dtype)
    for i in range(E):
        hi = expert_inputs @ W_fc[:, i, :].T + b_fc[:, i]
        hi = jax.nn.gelu(hi, approximate=False)
        hi = hi @ W_proj[:, i, :].T + b_proj[:, i]
        mask = (sel_sorted == i)[:, None]
        h = h + jnp.where(mask, hi, jnp.zeros_like(hi))
    h = h * batch_gates[:, None]
    out = jnp.zeros((T, D), dtype=h.dtype).at[batch_index].add(h)
    out = out.reshape(b, s, D)
    # switch loss + z loss
    probs = jax.nn.softmax(router_logits, axis=-1)
    acc_probs = probs.sum(0)
    freq = counts.astype(router_logits.dtype)
    acc_n = acc_probs / jnp.maximum(jnp.sum(jnp.abs(acc_probs)), 1e-12)
    freq_n = freq / jnp.maximum(jnp.sum(jnp.abs(freq)), 1e-12)
    switch_loss = E * jnp.sum(acc_n * freq_n)
    z_loss = jnp.mean(jax.nn.logsumexp(router_logits, axis=-1) ** 2)
    aux_loss = switch_loss + 0.1 * z_loss
    return out, router_logits, aux_loss

if __name__ == "__main__":
    import jax
    _d = setup_inputs()
    print(jax.jit(kernel)(*tuple(_d.values())))

</pallas_src>

<mosaic_0001>
module attributes {stable_mosaic.version = 14 : i64} {
  func.func @_router_body(%arg0: memref<2048x768xf32, #tpu.memory_space<vmem>>, %arg1: memref<768x64xf32, #tpu.memory_space<vmem>>, %arg2: memref<2048x64xf32, #tpu.memory_space<vmem>>, %arg3: memref<2048x1xi32, #tpu.memory_space<vmem>>, %arg4: memref<1x64xi32, #tpu.memory_space<vmem>>, %arg5: memref<1x1xf32, #tpu.memory_space<vmem>>) attributes {dimension_semantics = [], scalar_prefetch = 0 : i64, scratch_operands = 0 : i64, tpu.core_type = #tpu.core_type<tc>} {
    %get3A = arith.constant 0 : index
    %get3A_0 = arith.constant 0 : index
    %get3A_1 = vector.load %arg0[%get3A, %get3A_0] : memref<2048x768xf32, #tpu.memory_space<vmem>>, vector<2048x768xf32>
    %get3A_2 = arith.constant 0 : index
    %get3A_3 = arith.constant 0 : index
    %get3A_4 = vector.load %arg1[%get3A_2, %get3A_3] : memref<768x64xf32, #tpu.memory_space<vmem>>, vector<768x64xf32>
    %dot_general3A = arith.constant dense<0.000000e+00> : vector<2048x64xf32>
    %dot_general3A_5 = tpu.matmul %get3A_1, %get3A_4, %dot_general3A {dimension_numbers = #tpu.dot_dimension_numbers<[1], [0], [0], [1], [0, 0, 1, 1], [], []>, transpose_lhs_hint = false} : vector<2048x768xf32>, vector<768x64xf32>, vector<2048x64xf32> -> vector<2048x64xf32>
    %swap3A = arith.constant 0 : index
    %swap3A_6 = arith.constant 0 : index
    %swap3A_7 = vector.load %arg2[%swap3A, %swap3A_6] : memref<2048x64xf32, #tpu.memory_space<vmem>>, vector<2048x64xf32>
    tpu.vector_store %arg2[%swap3A, %swap3A_6], %dot_general3A_5 {strides = array<i32>} : memref<2048x64xf32, #tpu.memory_space<vmem>>, vector<2048x64xf32>,
    %iota3A = tpu.iota {dimensions = array<i32: 1>} : vector<2048x64xi32>
    %reduce_max3A = arith.constant dense<0xFF800000> : vector<2048xf32>
    %reduce_max3A_8 = vector.multi_reduction <maximumf>, %dot_general3A_5, %reduce_max3A [1] : vector<2048x64xf32> to vector<2048xf32>
    %broadcast_in_dim3A = vector.shape_cast %reduce_max3A_8 : vector<2048xf32> to vector<2048x1xf32>
    %eq3A = vector.broadcast %broadcast_in_dim3A : vector<2048x1xf32> to vector<2048x64xf32>
    %eq3A_9 = arith.cmpf oeq, %dot_general3A_5, %eq3A : vector<2048x64xf32>
    %jit3A = arith.constant 64 : i32
    %broadcast_in_dim3A_10 = vector.broadcast %jit3A : i32 to vector<2048x64xi32>
    %select_n3A = arith.select %eq3A_9, %iota3A, %broadcast_in_dim3A_10 : vector<2048x64xi1>, vector<2048x64xi32>
    %reduce_min3A = arith.constant dense<2147483647> : vector<2048xi32>
    %reduce_min3A_11 = vector.multi_reduction <minsi>, %select_n3A, %reduce_min3A [1] : vector<2048x64xi32> to vector<2048xi32>
    %broadcast_in_dim3A_12 = vector.shape_cast %reduce_min3A_11 : vector<2048xi32> to vector<2048x1xi32>
    %swap3A_13 = arith.constant 0 : index
    %swap3A_14 = arith.constant 0 : index
    %swap3A_15 = vector.load %arg3[%swap3A_13, %swap3A_14] : memref<2048x1xi32, #tpu.memory_space<vmem>>, vector<2048x1xi32>
    tpu.vector_store %arg3[%swap3A_13, %swap3A_14], %broadcast_in_dim3A_12 {strides = array<i32>} : memref<2048x1xi32, #tpu.memory_space<vmem>>, vector<2048x1xi32>,
    %eq3A_16 = vector.broadcast %broadcast_in_dim3A_12 : vector<2048x1xi32> to vector<2048x64xi32>
    %eq3A_17 = arith.cmpi eq, %iota3A, %eq3A_16 : vector<2048x64xi32>
    %convert_element_type3A = arith.extui %eq3A_17 : vector<2048x64xi1> to vector<2048x64xi32>
    %convert_element_type3A_18 = arith.sitofp %convert_element_type3A : vector<2048x64xi32> to vector<2048x64xf32>
    %reduce_sum3A = arith.constant dense<0.000000e+00> : vector<64xf32>
    %reduce_sum3A_19 = vector.multi_reduction <add>, %convert_element_type3A_18, %reduce_sum3A [0] : vector<2048x64xf32> to vector<64xf32>
    %broadcast_in_dim3A_20 = vector.shape_cast %reduce_sum3A_19 : vector<64xf32> to vector<1x64xf32>
    %convert_element_type3A_21 = arith.fptosi %broadcast_in_dim3A_20 : vector<1x64xf32> to vector<1x64xi32>
    %swap3A_22 = arith.constant 0 : index
    %swap3A_23 = arith.constant 0 : index
    %swap3A_24 = vector.load %arg4[%swap3A_22, %swap3A_23] : memref<1x64xi32, #tpu.memory_space<vmem>>, vector<1x64xi32>
    tpu.vector_store %arg4[%swap3A_22, %swap3A_23], %convert_element_type3A_21 {strides = array<i32>} : memref<1x64xi32, #tpu.memory_space<vmem>>, vector<1x64xi32>,
    %sub3A = vector.broadcast %broadcast_in_dim3A : vector<2048x1xf32> to vector<2048x64xf32>
    %sub3A_25 = arith.subf %dot_general3A_5, %sub3A : vector<2048x64xf32>
    %exp3A = math.exp %sub3A_25 : vector<2048x64xf32>
    %reduce_sum3A_26 = arith.constant dense<0.000000e+00> : vector<2048xf32>
    %reduce_sum3A_27 = vector.multi_reduction <add>, %exp3A, %reduce_sum3A_26 [1] : vector<2048x64xf32> to vector<2048xf32>
    %broadcast_in_dim3A_28 = vector.shape_cast %reduce_sum3A_27 : vector<2048xf32> to vector<2048x1xf32>
    %div3A = vector.broadcast %broadcast_in_dim3A_28 : vector<2048x1xf32> to vector<2048x64xf32>
    %div3A_29 = arith.divf %exp3A, %div3A : vector<2048x64xf32>
    %reduce_sum3A_30 = arith.constant dense<0.000000e+00> : vector<64xf32>
    %reduce_sum3A_31 = vector.multi_reduction <add>, %div3A_29, %reduce_sum3A_30 [0] : vector<2048x64xf32> to vector<64xf32>
    %broadcast_in_dim3A_32 = vector.shape_cast %reduce_sum3A_31 : vector<64xf32> to vector<1x64xf32>
    %log3A = math.log %broadcast_in_dim3A_28 : vector<2048x1xf32>
    %add3A = arith.addf %broadcast_in_dim3A, %log3A : vector<2048x1xf32>
    %mul3A = arith.mulf %add3A, %add3A : vector<2048x1xf32>
    %reduce_sum3A_33 = vector.shape_cast %mul3A : vector<2048x1xf32> to vector<1x2048x1xf32>
    %reduce_sum3A_34 = arith.constant dense<0.000000e+00> : vector<1xf32>
    %reduce_sum3A_35 = vector.multi_reduction <add>, %reduce_sum3A_33, %reduce_sum3A_34 [1, 2] : vector<1x2048x1xf32> to vector<1xf32>
    %reduce_sum3A_36 = vector.shape_cast %reduce_sum3A_35 : vector<1xf32> to vector<1x1x1xf32>
    %reduce_sum3A_37 = vector.extract %reduce_sum3A_36[0, 0, 0] : f32 from vector<1x1x1xf32>
    %div3A_38 = arith.constant 2.048000e+03 : f32
    %div3A_39 = arith.divf %reduce_sum3A_37, %div3A_38 : f32
    %abs3A = math.absf %broadcast_in_dim3A_32 : vector<1x64xf32>
    %reduce_sum3A_40 = vector.shape_cast %abs3A : vector<1x64xf32> to vector<1x1x64xf32>
    %reduce_sum3A_41 = arith.constant dense<0.000000e+00> : vector<1xf32>
    %reduce_sum3A_42 = vector.multi_reduction <add>, %reduce_sum3A_40, %reduce_sum3A_41 [1, 2] : vector<1x1x64xf32> to vector<1xf32>
    %reduce_sum3A_43 = vector.shape_cast %reduce_sum3A_42 : vector<1xf32> to vector<1x1x1xf32>
    %reduce_sum3A_44 = vector.extract %reduce_sum3A_43[0, 0, 0] : f32 from vector<1x1x1xf32>
    %max3A = arith.constant 9.99999996E-13 : f32
    %max3A_45 = arith.maximumf %reduce_sum3A_44, %max3A : f32
    %div3A_46 = vector.broadcast %max3A_45 : f32 to vector<1x64xf32>
    %div3A_47 = arith.divf %broadcast_in_dim3A_32, %div3A_46 : vector<1x64xf32>
    %abs3A_48 = math.absf %broadcast_in_dim3A_20 : vector<1x64xf32>
    %reduce_sum3A_49 = vector.shape_cast %abs3A_48 : vector<1x64xf32> to vector<1x1x64xf32>
    %reduce_sum3A_50 = arith.constant dense<0.000000e+00> : vector<1xf32>
    %reduce_sum3A_51 = vector.multi_reduction <add>, %reduce_sum3A_49, %reduce_sum3A_50 [1, 2] : vector<1x1x64xf32> to vector<1xf32>
    %reduce_sum3A_52 = vector.shape_cast %reduce_sum3A_51 : vector<1xf32> to vector<1x1x1xf32>
    %reduce_sum3A_53 = vector.extract %reduce_sum3A_52[0, 0, 0] : f32 from vector<1x1x1xf32>
    %max3A_54 = arith.constant 9.99999996E-13 : f32
    %max3A_55 = arith.maximumf %reduce_sum3A_53, %max3A_54 : f32
    %div3A_56 = vector.broadcast %max3A_55 : f32 to vector<1x64xf32>
    %div3A_57 = arith.divf %broadcast_in_dim3A_20, %div3A_56 : vector<1x64xf32>
    %mul3A_58 = arith.mulf %div3A_47, %div3A_57 : vector<1x64xf32>
    %reduce_sum3A_59 = vector.shape_cast %mul3A_58 : vector<1x64xf32> to vector<1x1x64xf32>
    %reduce_sum3A_60 = arith.constant dense<0.000000e+00> : vector<1xf32>
    %reduce_sum3A_61 = vector.multi_reduction <add>, %reduce_sum3A_59, %reduce_sum3A_60 [1, 2] : vector<1x1x64xf32> to vector<1xf32>
    %reduce_sum3A_62 = vector.shape_cast %reduce_sum3A_61 : vector<1xf32> to vector<1x1x1xf32>
    %reduce_sum3A_63 = vector.extract %reduce_sum3A_62[0, 0, 0] : f32 from vector<1x1x1xf32>
    %mul3A_64 = arith.constant 6.400000e+01 : f32
    %mul3A_65 = arith.mulf %mul3A_64, %reduce_sum3A_63 : f32
    %mul3A_66 = arith.constant 1.000000e-01 : f32
    %mul3A_67 = arith.mulf %mul3A_66, %div3A_39 : f32
    %add3A_68 = arith.addf %mul3A_65, %mul3A_67 : f32
    %reshape3A = vector.broadcast %add3A_68 : f32 to vector<1x1xf32>
    %swap3A_69 = arith.constant 0 : index
    %swap3A_70 = arith.constant 0 : index
    %swap3A_71 = vector.load %arg5[%swap3A_69, %swap3A_70] : memref<1x1xf32, #tpu.memory_space<vmem>>, vector<1x1xf32>
    tpu.vector_store %arg5[%swap3A_69, %swap3A_70], %reshape3A {strides = array<i32>} : memref<1x1xf32, #tpu.memory_space<vmem>>, vector<1x1xf32>,
    return
  }
}

module attributes {stable_mosaic.version = 14 : i64} {
  func.func @_ffn_body(%arg0: i32, %arg1: memref<79xi32, #tpu.memory_space<smem>>, %arg2: memref<79xi32, #tpu.memory_space<smem>>, %arg3: memref<64xi32, #tpu.memory_space<smem>>, %arg4: memref<64xi32, #tpu.memory_space<smem>>, %arg5: memref<2048x768xf32, #tpu.memory_space<vmem>>, %arg6: memref<1536x768xf32, #tpu.memory_space<vmem>>, %arg7: memref<1536x64xf32, #tpu.memory_space<vmem>>, %arg8: memref<768x1536xf32, #tpu.memory_space<vmem>>, %arg9: memref<768x64xf32, #tpu.memory_space<vmem>>, %arg10: memref<2048x768xf32, #tpu.memory_space<vmem>>, %arg11: memref<768x2048xf32, #tpu.memory_space<vmem>>, %arg12: memref<768x2048xf32, #tpu.memory_space<vmem>>) attributes {dimension_semantics = [#tpu.dimension_semantics<arbitrary>], iteration_bounds = array<i64: 79>, scalar_prefetch = 4 : i64, scratch_operands = 2 : i64, tpu.core_type = #tpu.core_type<tc>, window_params = [{pipeline_mode = #tpu.pipeline_mode<synchronous>, transform_indices = @transform_0, window_bounds = array<i64: 2048, 768>}, {transform_indices = @transform_1, window_bounds = array<i64: 1536, 768>}, {pipeline_mode = #tpu.pipeline_mode<synchronous>, transform_indices = @transform_2, window_bounds = array<i64: 1536, 64>}, {transform_indices = @transform_3, window_bounds = array<i64: 768, 1536>}, {pipeline_mode = #tpu.pipeline_mode<synchronous>, transform_indices = @transform_4, window_bounds = array<i64: 768, 64>}, {pipeline_mode = #tpu.pipeline_mode<synchronous>, transform_indices = @transform_5, window_bounds = array<i64: 2048, 768>}]} {
    %eq3A = arith.constant 0 : i32
    %eq3A_0 = arith.cmpi eq, %arg0, %eq3A : i32
    %convert_element_type3A = arith.extui %eq3A_0 : i1 to i32
    %cond3A = arith.constant 0 : i32
    %cond3A_1 = arith.cmpi ne, %convert_element_type3A, %cond3A : i32
    scf.if %cond3A_1 {
      %get3A_66 = arith.constant 0 : index
      %get3A_67 = arith.constant 0 : index
      %get3A_68 = vector.load %arg5[%get3A_66, %get3A_67] : memref<2048x768xf32, #tpu.memory_space<vmem>>, vector<2048x768xf32>
      %transpose3A = tpu.transpose %get3A_68, [1, 0] : vector<2048x768xf32> -> vector<768x2048xf32>
      %swap3A_69 = arith.constant 0 : index
      %swap3A_70 = arith.constant 0 : index
      %swap3A_71 = vector.load %arg11[%swap3A_69, %swap3A_70] : memref<768x2048xf32, #tpu.memory_space<vmem>>, vector<768x2048xf32>
      tpu.vector_store %arg11[%swap3A_69, %swap3A_70], %transpose3A {strides = array<i32>} : memref<768x2048xf32, #tpu.memory_space<vmem>>, vector<768x2048xf32>,
    } else {
    }
    %get3A = arith.index_cast %arg0 : i32 to index
    %get3A_2 = memref.load %arg1[%get3A] : memref<79xi32, #tpu.memory_space<smem>>
    %get3A_3 = arith.index_cast %get3A_2 : i32 to index
    %get3A_4 = memref.load %arg3[%get3A_3] : memref<64xi32, #tpu.memory_space<smem>>
    %get3A_5 = arith.index_cast %get3A_2 : i32 to index
    %get3A_6 = memref.load %arg4[%get3A_5] : memref<64xi32, #tpu.memory_space<smem>>
    %get3A_7 = arith.index_cast %arg0 : i32 to index
    %get3A_8 = memref.load %arg2[%get3A_7] : memref<79xi32, #tpu.memory_space<smem>>
    %mul3A = arith.constant 128 : i32
    %mul3A_9 = arith.muli %get3A_8, %mul3A : i32
    %multiple_of3A = tpu.assume_multiple %mul3A_9, 128 : i32
    %get3A_10 = arith.constant 0 : index
    %get3A_11 = arith.index_cast %multiple_of3A : i32 to index
    %get3A_12 = vector.load %arg11[%get3A_10, %get3A_11] : memref<768x2048xf32, #tpu.memory_space<vmem>>, vector<768x128xf32>
    %get3A_13 = arith.constant 0 : index
    %get3A_14 = arith.constant 0 : index
    %get3A_15 = vector.load %arg6[%get3A_13, %get3A_14] : memref<1536x768xf32, #tpu.memory_space<vmem>>, vector<1536x768xf32>
    %get3A_16 = arith.constant 0 : index
    %get3A_17 = arith.constant 0 : index
    %get3A_18 = vector.load %arg8[%get3A_16, %get3A_17] : memref<768x1536xf32, #tpu.memory_space<vmem>>, vector<768x1536xf32>
    %iota3A = tpu.iota {dimensions = array<i32: 0>} : vector<64x1xi32>
    %eq3A_19 = vector.broadcast %get3A_2 : i32 to vector<64x1xi32>
    %eq3A_20 = arith.cmpi eq, %iota3A, %eq3A_19 : vector<64x1xi32>
    %convert_element_type3A_21 = arith.extui %eq3A_20 : vector<64x1xi1> to vector<64x1xi32>
    %convert_element_type3A_22 = arith.sitofp %convert_element_type3A_21 : vector<64x1xi32> to vector<64x1xf32>
    %get3A_23 = arith.constant 0 : index
    %get3A_24 = arith.constant 0 : index
    %get3A_25 = vector.load %arg7[%get3A_23, %get3A_24] : memref<1536x64xf32, #tpu.memory_space<vmem>>, vector<1536x64xf32>
    %dot_general3A = arith.constant dense<0.000000e+00> : vector<1536x1xf32>
    %dot_general3A_26 = tpu.matmul %get3A_25, %convert_element_type3A_22, %dot_general3A {dimension_numbers = #tpu.dot_dimension_numbers<[1], [0], [0], [1], [0, 0, 1, 1], [], []>, transpose_lhs_hint = false} : vector<1536x64xf32>, vector<64x1xf32>, vector<1536x1xf32> -> vector<1536x1xf32>
    %get3A_27 = arith.constant 0 : index
    %get3A_28 = arith.constant 0 : index
    %get3A_29 = vector.load %arg9[%get3A_27, %get3A_28] : memref<768x64xf32, #tpu.memory_space<vmem>>, vector<768x64xf32>
    %dot_general3A_30 = arith.constant dense<0.000000e+00> : vector<768x1xf32>
    %dot_general3A_31 = tpu.matmul %get3A_29, %convert_element_type3A_22, %dot_general3A_30 {dimension_numbers = #tpu.dot_dimension_numbers<[1], [0], [0], [1], [0, 0, 1, 1], [], []>, transpose_lhs_hint = false} : vector<768x64xf32>, vector<64x1xf32>, vector<768x1xf32> -> vector<768x1xf32>
    %dot_general3A_32 = arith.constant dense<0.000000e+00> : vector<1536x128xf32>
    %dot_general3A_33 = tpu.matmul %get3A_15, %get3A_12, %dot_general3A_32 {dimension_numbers = #tpu.dot_dimension_numbers<[1], [0], [0], [1], [0, 0, 1, 1], [], []>, transpose_lhs_hint = false} : vector<1536x768xf32>, vector<768x128xf32>, vector<1536x128xf32> -> vector<1536x128xf32>
    %add3A = vector.broadcast %dot_general3A_26 : vector<1536x1xf32> to vector<1536x128xf32>
    %add3A_34 = arith.addf %dot_general3A_33, %add3A : vector<1536x128xf32>
    %mul3A_35 = arith.constant 5.000000e-01 : f32
    %mul3A_36 = vector.broadcast %mul3A_35 : f32 to vector<1536x128xf32>
    %mul3A_37 = arith.mulf %mul3A_36, %add3A_34 : vector<1536x128xf32>
    %mul3A_38 = arith.constant 0.707106769 : f32
    %mul3A_39 = vector.broadcast %mul3A_38 : f32 to vector<1536x128xf32>
    %mul3A_40 = arith.mulf %add3A_34, %mul3A_39 : vector<1536x128xf32>
    %erf3A = math.erf %mul3A_40 : vector<1536x128xf32>
    %add3A_41 = arith.constant 1.000000e+00 : f32
    %add3A_42 = vector.broadcast %add3A_41 : f32 to vector<1536x128xf32>
    %add3A_43 = arith.addf %add3A_42, %erf3A : vector<1536x128xf32>
    %mul3A_44 = arith.mulf %mul3A_37, %add3A_43 : vector<1536x128xf32>
    %dot_general3A_45 = arith.constant dense<0.000000e+00> : vector<768x128xf32>
    %dot_general3A_46 = tpu.matmul %get3A_18, %mul3A_44, %dot_general3A_45 {dimension_numbers = #tpu.dot_dimension_numbers<[1], [0], [0], [1], [0, 0, 1, 1], [], []>, transpose_lhs_hint = false} : vector<768x1536xf32>, vector<1536x128xf32>, vector<768x128xf32> -> vector<768x128xf32>
    %add3A_47 = vector.broadcast %dot_general3A_31 : vector<768x1xf32> to vector<768x128xf32>
    %add3A_48 = arith.addf %dot_general3A_46, %add3A_47 : vector<768x128xf32>
    %iota3A_49 = tpu.iota {dimensions = array<i32: 1>} : vector<1x128xi32>
    %add3A_50 = vector.broadcast %multiple_of3A : i32 to vector<1x128xi32>
    %add3A_51 = arith.addi %add3A_50, %iota3A_49 : vector<1x128xi32>
    %ge3A = vector.broadcast %get3A_4 : i32 to vector<1x128xi32>
    %ge3A_52 = arith.cmpi sge, %add3A_51, %ge3A : vector<1x128xi32>
    %add3A_53 = arith.addi %get3A_4, %get3A_6 : i32
    %lt3A = vector.broadcast %add3A_53 : i32 to vector<1x128xi32>
    %lt3A_54 = arith.cmpi slt, %add3A_51, %lt3A : vector<1x128xi32>
    %and3A = arith.andi %ge3A_52, %lt3A_54 : vector<1x128xi1>
    %get3A_55 = arith.constant 0 : index
    %get3A_56 = arith.index_cast %multiple_of3A : i32 to index
    %get3A_57 = vector.load %arg12[%get3A_55, %get3A_56] : memref<768x2048xf32, #tpu.memory_space<vmem>>, vector<768x128xf32>
    %broadcast_in_dim3A = vector.shape_cast %and3A : vector<1x128xi1> to vector<1x128xi1>
    %broadcast_in_dim3A_58 = vector.broadcast %broadcast_in_dim3A : vector<1x128xi1> to vector<768x128xi1>
    %select_n3A = arith.select %broadcast_in_dim3A_58, %add3A_48, %get3A_57 : vector<768x128xi1>, vector<768x128xf32>
    %swap3A = arith.constant 0 : index
    %swap3A_59 = arith.index_cast %multiple_of3A : i32 to index
    %swap3A_60 = vector.load %arg12[%swap3A, %swap3A_59] : memref<768x2048xf32, #tpu.memory_space<vmem>>, vector<768x128xf32>
    tpu.vector_store %arg12[%swap3A, %swap3A_59], %select_n3A {strides = array<i32>} : memref<768x2048xf32, #tpu.memory_space<vmem>>, vector<768x128xf32>,
    %eq3A_61 = arith.constant 78 : i32
    %eq3A_62 = arith.cmpi eq, %arg0, %eq3A_61 : i32
    %convert_element_type3A_63 = arith.extui %eq3A_62 : i1 to i32
    %cond3A_64 = arith.constant 0 : i32
    %cond3A_65 = arith.cmpi ne, %convert_element_type3A_63, %cond3A_64 : i32
    scf.if %cond3A_65 {
      %get3A_66 = arith.constant 0 : index
      %get3A_67 = arith.constant 0 : index
      %get3A_68 = vector.load %arg12[%get3A_66, %get3A_67] : memref<768x2048xf32, #tpu.memory_space<vmem>>, vector<768x2048xf32>
      %transpose3A = tpu.transpose %get3A_68, [1, 0] : vector<768x2048xf32> -> vector<2048x768xf32>
      %swap3A_69 = arith.constant 0 : index
      %swap3A_70 = arith.constant 0 : index
      %swap3A_71 = vector.load %arg10[%swap3A_69, %swap3A_70] : memref<2048x768xf32, #tpu.memory_space<vmem>>, vector<2048x768xf32>
      tpu.vector_store %arg10[%swap3A_69, %swap3A_70], %transpose3A {strides = array<i32>} : memref<2048x768xf32, #tpu.memory_space<vmem>>, vector<2048x768xf32>,
    } else {
    }
    return
  }
  func.func @transform_0(%arg0: i32, %arg1: memref<79xi32, #tpu.memory_space<smem>>, %arg2: memref<79xi32, #tpu.memory_space<smem>>, %arg3: memref<64xi32, #tpu.memory_space<smem>>, %arg4: memref<64xi32, #tpu.memory_space<smem>>) -> (i32, i32) {
    %c0_i32 = arith.constant 0 : i32
    %c0_i32_0 = arith.constant 0 : i32
    %c0_i32_1 = arith.constant 0 : i32
    return %c0_i32, %c0_i32_0 : i32, i32
  }
  func.func @transform_1(%arg0: i32, %arg1: memref<79xi32, #tpu.memory_space<smem>>, %arg2: memref<79xi32, #tpu.memory_space<smem>>, %arg3: memref<64xi32, #tpu.memory_space<smem>>, %arg4: memref<64xi32, #tpu.memory_space<smem>>) -> (i32, i32) {
    %get3A = arith.index_cast %arg0 : i32 to index
    %get3A_0 = memref.load %arg1[%get3A] : memref<79xi32, #tpu.memory_space<smem>>
    %c0_i32 = arith.constant 0 : i32
    %c0_i32_1 = arith.constant 0 : i32
    return %c0_i32, %get3A_0 : i32, i32
  }
  func.func @transform_2(%arg0: i32, %arg1: memref<79xi32, #tpu.memory_space<smem>>, %arg2: memref<79xi32, #tpu.memory_space<smem>>, %arg3: memref<64xi32, #tpu.memory_space<smem>>, %arg4: memref<64xi32, #tpu.memory_space<smem>>) -> (i32, i32) {
    %c0_i32 = arith.constant 0 : i32
    %c0_i32_0 = arith.constant 0 : i32
    %c0_i32_1 = arith.constant 0 : i32
    return %c0_i32, %c0_i32_0 : i32, i32
  }
  func.func @transform_3(%arg0: i32, %arg1: memref<79xi32, #tpu.memory_space<smem>>, %arg2: memref<79xi32, #tpu.memory_space<smem>>, %arg3: memref<64xi32, #tpu.memory_space<smem>>, %arg4: memref<64xi32, #tpu.memory_space<smem>>) -> (i32, i32) {
    %get3A = arith.index_cast %arg0 : i32 to index
    %get3A_0 = memref.load %arg1[%get3A] : memref<79xi32, #tpu.memory_space<smem>>
    %c0_i32 = arith.constant 0 : i32
    %c0_i32_1 = arith.constant 0 : i32
    return %c0_i32, %get3A_0 : i32, i32
  }
  func.func @transform_4(%arg0: i32, %arg1: memref<79xi32, #tpu.memory_space<smem>>, %arg2: memref<79xi32, #tpu.memory_space<smem>>, %arg3: memref<64xi32, #tpu.memory_space<smem>>, %arg4: memref<64xi32, #tpu.memory_space<smem>>) -> (i32, i32) {
    %c0_i32 = arith.constant 0 : i32
    %c0_i32_0 = arith.constant 0 : i32
    %c0_i32_1 = arith.constant 0 : i32
    return %c0_i32, %c0_i32_0 : i32, i32
  }
  func.func @transform_5(%arg0: i32, %arg1: memref<79xi32, #tpu.memory_space<smem>>, %arg2: memref<79xi32, #tpu.memory_space<smem>>, %arg3: memref<64xi32, #tpu.memory_space<smem>>, %arg4: memref<64xi32, #tpu.memory_space<smem>>) -> (i32, i32) {
    %c0_i32 = arith.constant 0 : i32
    %c0_i32_0 = arith.constant 0 : i32
    %c0_i32_1 = arith.constant 0 : i32
    return %c0_i32, %c0_i32_0 : i32, i32
  }
}

</mosaic_0001>

<sc_bundles>
// kernel: gather_offload_async_start
scs
__scs_entry_jumppad:
0x0: {  	(pc) =	sbr.rel $0x88, $3  }
0x1: {  	(tag) =	ssettag $0x0;
	lr =	simm.s32 $0x1  }
0x2: {  	[smem:$0x3F9B] =	sst lr;
	_ =	strace $0xD0000000  }
0x3: {  	_ = 	snop  }
0x4: {  	_ = 	snop  }
0x5: {  	_ = 	snop  }
0x6: {  	_ = 	snop  }
0x7: {  	_ = 	snop  }
__scs_overlays_trampoline_lowered:
0x8: {  	[smem:$0x3FAA] =	sst s0  }
0x9: {  	[smem:$0x3FAB] =	sst s1  }
0xa: {  	[smem:$0x3FAC] =	sst s2  }
0xb: {  	[smem:$0x3FAD] =	sst s3  }
0xc: {  	[smem:$0x3FAE] =	sst s4  }
0xd: {  	[smem:$0x3FAF] =	sst s5  }
0xe: {  	[smem:$0x3FB0] =	sst s6  }
0xf: {  	[smem:$0x3FB1] =	sst s7  }
0x10: {  	[smem:$0x3FB2] =	sst s8  }
0x11: {  	[smem:$0x3FB3] =	sst s9;
	s0 =	simm.s32 @!p0 $0x0  }
0x12: {  	s1 =	sld [smem:$0x3F99];
	s0 =	simm.s32 @p0 $0x1  }
0x13: {  	[smem:$0x3FB4] =	sst s0;
	s0 =	simm.s32 @!p1 $0x0  }
0x14: {  	s2 =	sld [smem:$0x3F98];
	s0 =	simm.s32 @p1 $0x1  }
0x15: {  	[smem:$0x3FB5] =	sst s0;
	s0 =	simm.s32 @!p2 $0x0  }
0x16: {  	s3 =	sld [smem:$0x3FDB];
	s0 =	simm.s32 @p2 $0x1  }
0x17: {  	s4 =	simm.s32 $0x1BF5;
	[smem:$0x3FB7] =	sst s0  }
0x18: {  	s0 =	sld [smem:$0x3F9A];
	_ =	swait.ge [sflag:s4], $0x0  }
0x19: {  	s7 =	sld [smem:$0x3F9B]  }
0x1a: {  	s8 =	sadd.s32 $0xFFFFE003, lr  }
0x1b: {  	s9 =	sadd.s32 $0xFFFFFEF7, lr;
	s5 =	simm.s32 $0xFFFFFFFF;
	p2 =	slt.u32 s8, $0xFFFFF086  }
0x1c: {  	p1 =	slt.u32 s9, $0xF7A;
	s5 =	simm.s32 @!p2 $0x0  }
0x1d: {  	s5 =	simm.s32 @p1 $0x1;
	p0 =	seq.s32 s7, s2  }
0x1e: {  	s7 =	smul.u32 @!p0 $0xF7A, s2;
	p2 =	seq.s32 @!p0 s5, $0x0  }
0x1f: {  	s9 =	smul.u32 $0xF7A, s1;
	s8 =	simm.s32 @!p0 $0x1BF5;
	p2 =	por !p2, p0  }
0x20: {  	[sflag:s8] =	ssyncset.s32 @!p0 $0xFFFFF086;
	s6 =	sadd.s32 @!p0 s3, s7;
	s7 =	simm.s32 @!p0 $0x108  }
0x21: {  	s3 =	sadd.s32 s3, s9;
	s6 =	sadd.s32 @!p0 $0x88, s6;
	s7 =	simm.s32 @p2 $0x1082  }
0x22: {  	[simem:s7], [sflag:s8] =	dma.local @!p0 [hbm:s6], $0xF7A  }
0x23: {  	s9 =	sor.u32 $0xD0000000, s2;
	s6 =	simm.s32 $0x108;
	_ =	swait.ge @!p0 [sflag:s8], $0x0  }
0x24: {  	s3 =	sadd.s32 $0x88, s3;
	s6 =	simm.s32 @!p1 $0x1082;
	[sflag:s4] =	ssyncset.s32 $0xFFFFF086  }
0x25: {  	[simem:s6], [sflag:s4] =	dma.local [hbm:s3], $0xF7A  }
0x26: {  	[smem:$0x3F9B] =	sst s1;
	(tag) =	ssettag s2;
	_ =	strace s9  }
0x27: {  	s1 =	sld [smem:$0x3FAB]  }
0x28: {  	s2 =	sld [smem:$0x3FAC]  }
0x29: {  	s4 =	sld [smem:$0x3FAE]  }
0x2a: {  	p0 =	seq.s32 s5, $0x0;
	s5 =	sld [smem:$0x3FAF]  }
0x2b: {  	s6 =	sld [smem:$0x3FB0]  }
0x2c: {  	s7 =	sld [smem:$0x3FB1]  }
0x2d: {  	s3 =	simm.s32 $0x108;
	s8 =	sld [smem:$0x3FB2]  }
0x2e: {  	s3 =	simm.s32 @!p0 $0x1082;
	s9 =	sld [smem:$0x3FB3]  }
0x2f: {  	lr =	sadd.s32 s0, s3;
	s0 =	sld [smem:$0x3FAA]  }
0x30: {  	s3 =	sld [smem:$0x3FAD]  }
0x31: {  	[smem:$0x3FB6] =	sst s10  }
0x32: {  	s10 =	sld [smem:$0x3FB4];
	_ =	sdelay $0x3  }
0x33: {  	p0 =	seq.s32 s10, $0x1;
	s10 =	sld [smem:$0x3FB6];
	_ =	sdelay $0x3  }
0x34: {  	[smem:$0x3FB6] =	sst s10  }
0x35: {  	s10 =	sld [smem:$0x3FB5];
	_ =	sdelay $0x3  }
0x36: {  	p1 =	seq.s32 s10, $0x1;
	s10 =	sld [smem:$0x3FB6];
	_ =	sdelay $0x3  }
0x37: {  	[smem:$0x3FB6] =	sst s10  }
0x38: {  	s10 =	sld [smem:$0x3FB7]  }
0x39: {  	_ = 	snop;
	(pc) =	sbr.ind lr, $3  }
0x3a: {  	_ = 	snop  }
0x3b: {  	_ = 	snop  }
0x3c: {  	p2 =	seq.s32 s10, $0x1;
	s10 =	sld [smem:$0x3FB6]  }
0x3d: {  	_ =	shalt  }
0x3e: {  	_ =	shalt  }
0x3f: {  	_ =	shalt  }
0x40: {  	_ =	shalt  }
0x41: {  	_ =	shalt  }
0x42: {  	_ =	shalt  }
0x43: {  	_ =	shalt  }
0x44: {  	_ =	shalt  }
0x45: {  	_ =	shalt  }
0x46: {  	_ =	shalt  }
0x47: {  	_ =	shalt  }
0x48: {  	_ =	shalt  }
0x49: {  	_ =	shalt  }
0x4a: {  	_ =	shalt  }
0x4b: {  	_ =	shalt  }
0x4c: {  	_ =	shalt  }
0x4d: {  	_ =	shalt  }
0x4e: {  	_ =	shalt  }
0x4f: {  	_ =	shalt  }
0x50: {  	_ =	shalt  }
0x51: {  	_ =	shalt  }
0x52: {  	_ =	shalt  }
0x53: {  	_ =	shalt  }
0x54: {  	_ =	shalt  }
0x55: {  	_ =	shalt  }
0x56: {  	_ =	shalt  }
0x57: {  	_ =	shalt  }
0x58: {  	_ =	shalt  }
0x59: {  	_ =	shalt  }
0x5a: {  	_ =	shalt  }
0x5b: {  	_ =	shalt  }
0x5c: {  	_ =	shalt  }
0x5d: {  	_ =	shalt  }
0x5e: {  	_ =	shalt  }
0x5f: {  	_ =	shalt  }
0x60: {  	_ =	shalt  }
0x61: {  	_ =	shalt  }
0x62: {  	_ =	shalt  }
0x63: {  	_ =	shalt  }
0x64: {  	_ =	shalt  }
0x65: {  	_ =	shalt  }
0x66: {  	_ =	shalt  }
0x67: {  	_ =	shalt  }
0x68: {  	_ =	shalt  }
0x69: {  	_ =	shalt  }
0x6a: {  	_ =	shalt  }
0x6b: {  	_ =	shalt  }
0x6c: {  	_ =	shalt  }
0x6d: {  	_ =	shalt  }
0x6e: {  	_ =	shalt  }
0x6f: {  	_ =	shalt  }
0x70: {  	_ =	shalt  }
0x71: {  	_ =	shalt  }
0x72: {  	_ =	shalt  }
0x73: {  	_ =	shalt  }
0x74: {  	_ =	shalt  }
0x75: {  	_ =	shalt  }
0x76: {  	_ =	shalt  }
0x77: {  	_ =	shalt  }
0x78: {  	_ =	shalt  }
0x79: {  	_ =	shalt  }
0x7a: {  	_ =	shalt  }
0x7b: {  	_ =	shalt  }
0x7c: {  	_ =	shalt  }
0x7d: {  	_ =	shalt  }
0x7e: {  	_ =	shalt  }
0x7f: {  	_ =	shalt  }
0x80: {  	_ =	shalt  }
0x81: {  	_ =	shalt  }
0x82: {  	_ =	shalt  }
0x83: {  	_ =	shalt  }
0x84: {  	_ =	shalt  }
0x85: {  	_ =	shalt  }
0x86: {  	_ =	shalt  }
0x87: {  	_ =	shalt  }
.Lfunc_end0:
.L_simem_size_0:
called_computation.2_lowered:
.L_overlay_start_0:
0x88: {  	s2 =	sld [smem:$0x3FD9]  }
0x89: {  	s3 =	sld [smem:$0x3FFE];
	_ =	sdelay $0x1  }
0x8a: {  	s1 =	srdreg.scid  }
0x8b: {  	s0 =	sand.u32 $0x1, s1  }
0x8c: {  	s14 =	sshll.u32 s0, $0xA;
	s2 =	sadd.s32 s3, s2  }
0x8d: {  	s2 =	sadd.s32 s2, s14  }
0x8e: {  	[smem:$0x3FC2] =	sst s2  }
0x8f: {  	_ = 	snop  }
0x90: {  	s2 =	sld [smem:$0x3FD0];
	_ =	sdelay $0x2  }
0x91: {  	s4 =	simm.s32 $0xC;
	s5 =	simm.s32 $0x10;
	s15 =	sld [smem:$0x3FC9]  }
0x92: {  	[smem:s5], [sflag:s4] =	dma.local [hbm:s2], $0x1  }
0x93: {  	_ =	swait.eq [sflag:s4], $0x1  }
0x94: {  	[sflag:s4] =	ssyncset.done $0x0  }
0x95: {  	[sflag:s4] =	ssyncadd.s32 $0xFFFFFFFF  }
0x96: {  	s16 =	sld [smem:$0x10];
	(tm) =	ssettm $0x1  }
0x97: {  	s17 =	sld [smem:$0x3FFB];
	_ =	sdelay $0x3  }
0x98: {  	_ =	strace s17  }
0x99: {  	s4 =	sld [smem:$0x3FFC];
	_ =	sdelay $0x3  }
0x9a: {  	_ =	strace s4  }
0x9b: {  	s4 =	sld [smem:$0x3FFD];
	_ =	sdelay $0x3  }
0x9c: {  	_ =	strace s4  }
0x9d: {  	_ =	strace $0x8FFFFFFF  }
0x9e: {  	s18 =	sld [smem:$0x3FDB];
	_ =	sdelay $0x1  }
0x9f: {  	s19 =	simm.s32 $_scs_section_size  }
0xa0: {  	s6 =	simm.s32 $_size__tile_overlayer_lowered;
	s7 =	simm.s32 $_tile_overlayer_lowered  }
0xa1: {  	s22 =	simm.s32 $0x1BFF;
	s21 =	sshll.u32 s7, $0x1;
	s4 =	sadd.s32 s19, s18  }
0xa2: {  	s8 =	simm.s32 $0x0;
	s20 =	sshll.u32 s6, $0x1;
	s6 =	sadd.s32 s21, s4  }
0xa3: {  	[timem:s8], [sflag:s22] =	dma.local [hbm:s6], s20  }
0xa4: {  	_ =	swait.ge [sflag:s22], s20  }
0xa5: {  	s5 =	ssub.s32 $0x0, s20;
	[sflag:s22] =	ssyncset.done $0x0  }
0xa6: {  	[sflag:s22] =	ssyncadd.s32 s5;
	_ =	sdelay $0x1  }
0xa7: {  	s23 =	simm.s32 $0x1B8B  }
0xa8: {  	_ =	swait.ge [sflag:s23], $0x1  }
0xa9: {  	[sflag:s23] =	ssyncset.done $0x0  }
0xaa: {  	s25 =	simm.s32 $0x1B8E;
	s24 =	sld [smem:$0x3FFE];
	[sflag:s23] =	ssyncadd.s32 $0xFFFFFFFF  }
0xab: {  	s26 =	simm.s32 $execute0_lowered;
	[smem:$0x3FD2] =	sst s25  }
0xac: {  	s6 =	sshll.u32 s26, $0x1;
	_ =	strace $0x80000046;
	[dreg:$0x1] =	wrdreg $0xFFFFFFFF  }
0xad: {  	s28 =	simm.s32 $_size_execute0_lowered;
	s4 =	sadd.s32 s4, s6;
	[dreg:$0x0] =	wrdreg $0x0  }
0xae: {  	s6 =	sshll.u32 s28, $0x1;
	[dreg:$0x2] =	wrdreg s4  }
0xaf: {  	[dreg:$0x3] =	wrdreg s6  }
0xb0: {  	[dreg:$0x4] =	wrdreg $0xC0  }
0xb1: {  	_ =	task [dreg:s8], $0x5FFFF  }
0xb2: {  	[dreg:$0x1] =	wrdreg $0xFFFFFFFF  }
0xb3: {  	[dreg:$0x0] =	wrdreg $0x60  }
0xb4: {  	[dreg:$0x2] =	wrdreg s15  }
0xb5: {  	[dreg:$0x3] =	wrdreg s24  }
0xb6: {  	[dreg:$0x4] =	wrdreg s16  }
0xb7: {  	[dreg:$0x5] =	wrdreg $0xB  }
0xb8: {  	_ =	task.clear_ibuf [dreg:s8], $0x6FFFF;
	_ =	strace $0x90000046  }
0xb9: {  	s29 =	simm.s32 $0xB;
	_ =	strace $0x80000048  }
0xba: {  	_ =	swait.ge [sflag:s29], $0x1  }
0xbb: {  	[sflag:s29] =	ssyncadd.s32 $0xFFFFFFFF  }
0xbc: {  	_ =	strace $0x90000048  }
0xbd: {  	_ =	sfence  }
0xbe: {  	s30 =	sld [smem:$0x0];
	_ =	sdelay $0x2  }
0xbf: {  	s31 =	sshll.u32 s1, $0xD;
	s1 =	sshrl.u32 s1, $0x2  }
0xc0: {  	s3 =	sand.u32 $0x4000, s31;
	s1 =	sadd.s32 s1, s30  }
0xc1: {  	s0 =	sor.u32 s3, s0;
	s1 =	sshll.u32 s1, $0x11  }
0xc2: {  	s0 =	sor.u32 s1, s0  }
0xc3: {  	s0 =	sadd.s32 $0x8F2B, s0  }
0xc4: {  	[sflag:s0] =	ssyncadd.remote.s32 $0x1  }
0xc5: {  	_ =	sfence.sel $0xFFFF  }
0xc6: {  	[dreg:$0x0] =	wrdreg $0xFFFFFFFF;
	(pc) =	sbr.abs _section_cstart, $3  }
0xc7: {  	[dreg:$0x1] =	wrdreg $0xFFFFFFFF  }
0xc8: {  	_ =	task.clear_ibuf [dreg:s8], $0x2FFFF;
	_ =	strace $0x9FFFFFFF  }
0xc9: {  	(tm) =	ssettm $0x7FFFFFFF  }
tec
execute0_lowered:
.L_overlay_start_1:
0x0: {  	(tag) =	ssettag $0x1  }
0x1: {  	s2 =	rddreg [dreg:$0x0]  }
0x2: {  	s7 =	rddreg [dreg:$0x1]  }
0x3: {  	s3 =	rddreg [dreg:$0x2]  }
0x4: {  	s0 =	rddreg [dreg:$0x3];
	s1 =	srdreg.scid;
	_ =	strace $0x80000047  }
0x5: {  	s4 =	simm.s32 $0x1;
	s9 =	simm.s32 $0x3;
	s5 =	sshll.u32 s1, $0x4  }
.Ltmp0:
0x6: {  	s1 =	stileid.u32;
	s5 =	sand.u32 $0x10, s5;
	(pc) =	sbr.rel .LBB2_1-.Ltmp0, $4  }
0x7: {  	s12 =	simm.s32 $0x0;
	s10 =	simm.s32 $0x0;
	s6 =	sor.u32 s1, s5  }
0x8: {  	[sflag:s4] =	ssyncpa.u1 $0x0;
	s5 =	simm.s32 $0x2;
	s6 =	sshll.u32 s6, $0x6  }
0x9: {  	s7 =	sadd.s32 $0x8200, s7;
	[sflag:s5] =	ssyncpa.u1 $0x0;
	s8 =	sadd.s32 $0x40, s6  }
0xa: {  	vm0 =	vmmov $0xff;
	vm1 =	vcmask $0x3F20;
	[sflag:s9] =	ssyncpa.u1 $0x0;
	s9 =	simm.s32 $0x40;
	s11 =	smov.u32 s6  }
.LBB2_11:
0xb: {  	p0 =	seq.s32 s10, $0x2  }
.Ltmp1:
0xc: {  	_ = 	snop;
	(pc) =	sbr.rel @p0 .LBB2_13-.Ltmp1, $1  }
0xd: {  	_ =	sdelay $0x3  }
.LBB2_12:
0xe: {  	s12 =	sadd.s32 $0x40, s11  }
0xf: {  	s13 =	smov.u32 s6;
	p0 =	slt.s32 s12, s8  }
0x10: {  	s13 =	smov.u32 @p0 s12  }
0x11: {  	s10 =	sadd.s32 $0x1, s10;
	s12 =	smov.u32 s11;
	s11 =	smov.u32 s13  }
.LBB2_1:
0x12: {  	p0 =	sne.s32 s10, $0x0  }
.Ltmp2:
0x13: {  	_ = 	snop;
	(pc) =	sbr.rel @!p0 .LBB2_2-.Ltmp2, $1  }
0x14: {  	_ =	sdelay $0x3  }
0x15: {  	s13 =	sand.u32 $0x1, s10  }
0x16: {  	p0 =	seq.s32 s13, $0x0  }
.Ltmp3:
0x17: {  	_ = 	snop;
	(pc) =	sbr.rel @p0 .LBB2_11-.Ltmp3, $1  }
0x18: {  	_ =	sdelay $0x3  }
0x19: {  	_ =	swait.ge [sflag:s5], $0x40  }
0x1a: {  	[sflag:s5] =	ssyncset.done $0x0  }
0x1b: {  	s13 =	simm.s32 $0x0;
	s14 =	simm.s32 $0x80;
	[sflag:s5] =	ssyncadd.s32 $0xFFFFFFC0  }
.LBB2_5:
0x1c: {  	s15 =	sshll.u32 s13, $0x4  }
0x1d: {  	s15 =	sand.u32 $0x3FFFFFF0, s15  }
0x1e: {  	v0 =	vld.msk [tilespmem:s15+$0x40 ss:$0x1], $0xffff;
	_ =	sdelay $0x4  }
0x1f: {  	vm2 =	vgt.s32 v0, $0x0  }
0x20: {  	v0 =	vnsel vm2, $0x0, v0  }
0x21: {  	v0 =	vmin.u32 v0, $0x7FF  }
0x22: {  	v1 =	vshrl.u32 v0, $0x3  }
0x23: {  	v0 =	vshll.u32 v0, $0x7;
	v1 =	vmul.u32 $0x1800, v1  }
0x24: {  	v0 =	vand.u32 $0x380, v0  }
0x25: {  	v0 =	vor.u32 v0, v1  }
0x26: {  	v0 =	vshrl.u32 v0, $0x3;
	_ =	sdelay $0x2  }
0x27: {  	s16 =	sadd.s32 $0xFFFFE800, s14  }
0x28: {  	s31 =	sadd.s32 $0xD800, s16;
	s16 =	sadd.s32 $0xF000, s16;
	s15 =	simm.s32 $0xFFFFB000  }
0x29: {  	v1 =	vadd.s32 $0x80, v0;
	[tilespmem:s31], [sflag:$0x1] =	stream.indirect_vreg.gather [hbm:s2], $0x80, v0, vm0, $0x38;
	[tilespmem:$0x18080] =	vst v63  }
.LBB2_6:
0x2a: {  	[tilespmem:s16], [sflag:$0x1] =	stream.indirect_vreg.gather [hbm:s2], $0x80, v0, vm1, $0x38;
	[tilespmem:$0x18080] =	vst v63  }
0x2b: {  	v0 =	vmov v1;
	p0 =	sne.s32 s15, $0xFFFFF000  }
.Ltmp4:
0x2c: {  	s16 =	sshra.s32 s15, $0x2;
	(pc) =	sbr.rel @p0 .LBB2_6-.Ltmp4, $4  }
0x2d: {  	s15 =	sadd.s32 $0x1000, s15;
	s16 =	sadd.s32 s16, s14  }
0x2e: {  	s17 =	sadd.s32 $0xD800, s16  }
0x2f: {  	[tilespmem:s17], [sflag:$0x1] =	stream.indirect_vreg.gather [hbm:s2], $0x80, v1, vm0, $0x38;
	[tilespmem:$0x18080] =	vst v63  }
0x30: {  	s16 =	sadd.s32 $0xF000, s16;
	v1 =	vadd.s32 $0x80, v1  }
0x31: {  	s13 =	sadd.s32 $0x1, s13  }
0x32: {  	p0 =	sne.s32 s13, $0x4  }
.Ltmp5:
0x33: {  	_ = 	snop;
	(pc) =	sbr.rel @p0 .LBB2_5-.Ltmp5, $3  }
0x34: {  	_ =	sdelay $0x1  }
0x35: {  	[tilespmem:s16], [sflag:$0x1] =	stream.indirect_vreg.gather [hbm:s2], $0x80, v0, vm1, $0x38;
	[tilespmem:$0x18080] =	vst v63  }
0x36: {  	s14 =	sadd.s32 $0x3000, s14  }
0x37: {  	s13 =	sshrl.u32 s12, $0x3  }
0x38: {  	s13 =	smul.u32 $0x300, s13  }
0x39: {  	_ =	swait.ge [sflag:s4], $0xC000;
	s31 =	sshll.u32 s12, $0x4  }
0x3a: {  	s14 =	simm.s32 $0x300;
	s12 =	sand.u32 $0x70, s31;
	s13 =	sadd.s32 s13, s3  }
0x3b: {  	s15 =	simm.s32 $0xD880;
	[sflag:s4] =	ssyncset.done $0x0;
	s12 =	sadd.s32 s12, s13  }
0x3c: {  	[sflag:s4] =	ssyncadd.s32 $0xFFFF4000;
	s13 =	simm.s32 $0xC080;
	s16 =	sadd.s32 $0x0, s12  }
.LBB2_9:
0x3d: {  	[hbm:s16] =	stream.linear.scatter [tilespmem:s13], [sflag:$0x3], $0x1800, $0x38;
	[tilespmem:$0x18080] =	vst v63  }
0x3e: {  	s16 =	smov.u32 s14;
	s13 =	smov.u32 s15;
	p0 =	sne.s32 s14, $0x1500  }
.Ltmp6:
0x3f: {  	s14 =	sadd.s32 $0x300, s14;
	(pc) =	sbr.rel @p0 .LBB2_9-.Ltmp6, $2  }
0x40: {  	_ =	sdelay $0x2  }
0x41: {  	s15 =	sadd.s32 $0x1800, s15;
	s16 =	sadd.s32 s16, s12  }
.Ltmp7:
0x42: {  	(pc) =	sbr.rel .LBB2_11-.Ltmp7, $2  }
0x43: {  	_ =	sdelay $0x2  }
0x44: {  	[hbm:s16] =	stream.linear.scatter [tilespmem:s13], [sflag:$0x3], $0x1800, $0x38;
	[tilespmem:$0x18080] =	vst v63  }
.LBB2_2:
.Ltmp8:
0x45: {  	(pc) =	sbr.rel .LBB2_12-.Ltmp8, $4  }
0x46: {  	_ = 	snop  }
0x47: {  	s12 =	sshrl.u32 s11, $0x3  }
0x48: {  	s13 =	sand.u32 $0x7, s11;
	s12 =	sadd.s32 s7, s12  }
0x49: {  	[tilespmem:s9], [sflag:$0x2] =	stream.linear.gather [hbm4b:s12+s13], $0x40, $0x38;
	[tilespmem:$0x18080] =	vst v63  }
.LBB2_13:
0x4a: {  	s2 =	simm.s32 $0x3  }
0x4b: {  	_ =	swait.ge [sflag:s2], $0xC000  }
0x4c: {  	[sflag:s2] =	ssyncset.done $0x0  }
0x4d: {  	[sflag:s2] =	ssyncadd.s32 $0xFFFF4000  }
0x4e: {  	_ =	sfence.sel $0x180000  }
0x4f: {  	s3 =	simm.s32 $0x2;
	[bflag:$0x0] =	sbarrier.arrive $0xFFFF  }
0x50: {  	[sflag:s3] =	ssyncpa.u1 $0x1  }
0x51: {  	s31 =	simm.s32 $0x1;
	[sflag:s2] =	ssyncpa.u1 $0x1  }
0x52: {  	[sflag:s31] =	ssyncpa.u1 $0x1  }
0x53: {  	p0 =	sne.s32 s1, $0x0;
	_ =	strace $0x90000047  }
0x54: {  	s0 =	sadd.s32 @!p0 $0x100000, s0;
	[bflag:$0x2] =	sbarrier.arrive $0xFFFF  }
0x55: {  	[sflag:s0] =	ssyncadd.tile.s32 @!p0 $0x1;
	_ =	shalt  }
.Lfunc_end2:
_tile_overlayer_lowered:
.L_overlay_start_2:
0x56: {  	(tag) =	ssettag $0x2  }
0x57: {  	s0 =	rddreg [dreg:$0x0];
	s2 =	stileid.u32  }
0x58: {  	s1 =	rddreg [dreg:$0x1];
	p0 =	sne.s32 s2, $0x0  }
0x59: {  	s3 =	rddreg [dreg:$0x2];
	[bflag:$0x3] =	sbarrier.arrive $0xFFFF;
	s2 =	simm.s32 @!p0 $0x1C01  }
0x5a: {  	[timem:s3], [sflag:s2] =	dma.local @!p0 [hbm:s0], s1  }
0x5b: {  	s0 =	simm.s32 @!p0 $0x1  }
0x5c: {  	_ =	swait.ge @!p0 [sflag:s0], s1  }
0x5d: {  	s1 =	ssub.s32 @!p0 $0x0, s1;
	[sflag:s0] =	ssyncset.done @!p0 $0x0  }
0x5e: {  	[sflag:s0] =	ssyncadd.s32 @!p0 s1  }
0x5f: {  	[bflag:$0x3] =	sbarrier.arrive $0xFFFF  }
0x60: {  	_ =	shalt  }

// kernel: sparse-core-data-format-call.1.cloned.1.call-start
scs
called_computation.1_lowered:
.L_overlay_start_0:
0x0: {  	s2 =	sld [smem:$0x3FD9]  }
0x1: {  	s3 =	sld [smem:$0x3FFE];
	_ =	sdelay $0x1  }
0x2: {  	s1 =	srdreg.scid  }
0x3: {  	s0 =	sand.u32 $0x1, s1  }
0x4: {  	s18 =	sshll.u32 s0, $0xA;
	s2 =	sadd.s32 s3, s2  }
0x5: {  	s2 =	sadd.s32 s2, s18  }
0x6: {  	[smem:$0x3FC2] =	sst s2  }
0x7: {  	_ = 	snop  }
0x8: {  	s19 =	sld [smem:$0x3FC7];
	(tm) =	ssettm $0x1  }
0x9: {  	s20 =	sld [smem:$0x3FFB];
	_ =	sdelay $0x3  }
0xa: {  	_ =	strace s20  }
0xb: {  	s2 =	sld [smem:$0x3FFC];
	_ =	sdelay $0x3  }
0xc: {  	_ =	strace s2  }
0xd: {  	s2 =	sld [smem:$0x3FFD];
	_ =	sdelay $0x3  }
0xe: {  	_ =	strace s2  }
0xf: {  	_ =	strace $0x8FFFFFFF  }
0x10: {  	s21 =	sld [smem:$0x3FDB];
	_ =	sdelay $0x1  }
0x11: {  	s4 =	simm.s32 $_scs_section_size  }
0x12: {  	s5 =	simm.s32 $_size__tile_overlayer_lowered;
	s6 =	simm.s32 $_tile_overlayer_lowered  }
0x13: {  	s7 =	simm.s32 $0x1BFF;
	s22 =	sshll.u32 s6, $0x1;
	s4 =	sadd.s32 s4, s21  }
0x14: {  	s23 =	simm.s32 $0x0;
	s5 =	sshll.u32 s5, $0x1;
	s6 =	sadd.s32 s22, s4  }
0x15: {  	[timem:s23], [sflag:s7] =	dma.local [hbm:s6], s5  }
0x16: {  	_ =	swait.ge [sflag:s7], s5  }
0x17: {  	s5 =	ssub.s32 $0x0, s5;
	[sflag:s7] =	ssyncset.done $0x0  }
0x18: {  	[sflag:s7] =	ssyncadd.s32 s5;
	_ =	sdelay $0x1  }
0x19: {  	s24 =	simm.s32 $0x1B8B  }
0x1a: {  	_ =	swait.ge [sflag:s24], $0x1  }
0x1b: {  	[sflag:s24] =	ssyncset.done $0x0  }
0x1c: {  	[sflag:s24] =	ssyncadd.s32 $0xFFFFFFFF  }
0x1d: {  	s5 =	sld [smem:$0x0]  }
0x1e: {  	s6 =	sand.u32 $0xFFFFFFFE, s1  }
0x1f: {  	p0 =	sne.s32 s1, s6  }
0x20: {  	s6 =	sshll.u32 @p0 s6, $0xE  }
0x21: {  	s6 =	sadd.s32 @p0 $0x11B8D, s6;
	s7 =	sshll.u32 @p0 s5, $0x11  }
0x22: {  	s6 =	sor.u32 @p0 s7, s6  }
0x23: {  	[sflag:s6] =	ssyncadd.remote.s32 @p0 $0x1;
	_ =	sdelay $0x1  }
0x24: {  	s6 =	simm.s32 @p0 $0x1B8D  }
0x25: {  	_ =	swait.eq @p0 [sflag:s6], $0x1  }
0x26: {  	[sflag:s6] =	ssyncadd.s32 @p0 $0xFFFFFFFF  }
0x27: {  	s7 =	sshll.u32 @!p0 s1, $0xE  }
0x28: {  	s7 =	sor.u32 @!p0 $0x4000, s7;
	s6 =	simm.s32 @!p0 $0x1B8D  }
0x29: {  	s5 =	sshll.u32 @!p0 s5, $0x11;
	s7 =	sadd.s32 @!p0 $0x11B8D, s7;
	_ =	swait.eq @!p0 [sflag:s6], $0x1  }
0x2a: {  	s5 =	sor.u32 @!p0 s5, s7;
	[sflag:s6] =	ssyncadd.s32 @!p0 $0xFFFFFFFF  }
0x2b: {  	s26 =	simm.s32 $0x1B8E;
	s25 =	sld [smem:$0x3FFE];
	[sflag:s5] =	ssyncadd.remote.s32 @!p0 $0x1  }
0x2c: {  	s27 =	simm.s32 $execute0_lowered;
	[smem:$0x3FD2] =	sst s26  }
0x2d: {  	s6 =	sshll.u32 s27, $0x1;
	_ =	strace $0x80000049;
	[dreg:$0x1] =	wrdreg $0xFFFFFFFF  }
0x2e: {  	s28 =	simm.s32 $_size_execute0_lowered;
	s4 =	sadd.s32 s4, s6;
	[dreg:$0x0] =	wrdreg $0x0  }
0x2f: {  	s6 =	sshll.u32 s28, $0x1;
	[dreg:$0x2] =	wrdreg s4  }
0x30: {  	[dreg:$0x3] =	wrdreg s6  }
0x31: {  	[dreg:$0x4] =	wrdreg $0xC0  }
0x32: {  	_ =	task [dreg:s23], $0x5FFFF  }
0x33: {  	[dreg:$0x1] =	wrdreg $0xFFFFFFFF  }
0x34: {  	[dreg:$0x0] =	wrdreg $0x60  }
0x35: {  	[dreg:$0x2] =	wrdreg s19  }
0x36: {  	[dreg:$0x3] =	wrdreg s25  }
0x37: {  	[dreg:$0x4] =	wrdreg $0xA  }
0x38: {  	_ =	task.clear_ibuf [dreg:s23], $0x5FFFF;
	_ =	strace $0x90000049  }
0x39: {  	s29 =	simm.s32 $0xA;
	_ =	strace $0x8000004B  }
0x3a: {  	_ =	swait.ge [sflag:s29], $0x1  }
0x3b: {  	[sflag:s29] =	ssyncadd.s32 $0xFFFFFFFF  }
0x3c: {  	_ =	strace $0x9000004B  }
0x3d: {  	_ =	sfence  }
0x3e: {  	s30 =	sld [smem:$0x0];
	_ =	sdelay $0x2  }
0x3f: {  	s31 =	sshll.u32 s1, $0xD;
	s1 =	sshrl.u32 s1, $0x2  }
0x40: {  	s4 =	sand.u32 $0x4000, s31;
	s1 =	sadd.s32 s1, s30  }
0x41: {  	s0 =	sor.u32 s4, s0;
	s1 =	sshll.u32 s1, $0x11  }
0x42: {  	s0 =	sor.u32 s1, s0  }
0x43: {  	s0 =	sadd.s32 $0x8F2B, s0  }
0x44: {  	[sflag:s0] =	ssyncadd.remote.s32 $0x1  }
0x45: {  	_ =	sfence.sel $0xFFFF  }
0x46: {  	[dreg:$0x0] =	wrdreg $0xFFFFFFFF;
	(pc) =	sbr.abs _section_cstart, $3  }
0x47: {  	[dreg:$0x1] =	wrdreg $0xFFFFFFFF  }
0x48: {  	_ =	task.clear_ibuf [dreg:s23], $0x2FFFF;
	_ =	strace $0x9FFFFFFF  }
0x49: {  	(tm) =	ssettm $0x7FFFFFFF  }
tec
execute0_lowered:
.L_overlay_start_1:
0x0: {  	(tag) =	ssettag $0x1  }
0x1: {  	s2 =	rddreg [dreg:$0x0]  }
0x2: {  	s1 =	rddreg [dreg:$0x1]  }
0x3: {  	s0 =	rddreg [dreg:$0x2]  }
0x4: {  	_ =	strace $0x8000004A;
	s4 =	srdreg.scid;
	s6 =	simm.s32 $0x2  }
0x5: {  	s13 =	simm.s32 $0x0;
	p0 =	por $0x0, $0x0;
	s12 =	simm.s32 $0x0  }
0x6: {  	s15 =	simm.s32 $0x0;
	s14 =	simm.s32 $0x0;
	s8 =	simm.s32 $0x0  }
.Ltmp0:
0x7: {  	s9 =	simm.s32 $0x0;
	s10 =	simm.s32 $0x0;
	(pc) =	sbr.rel .LBB1_1-.Ltmp0, $4  }
0x8: {  	s7 =	simm.s32 $0x0;
	s3 =	sadd.s32 $0x8600, s1;
	s5 =	sshll.u32 s4, $0x4  }
0x9: {  	s1 =	stileid.u32;
	s4 =	simm.s32 $0x1;
	s5 =	sand.u32 $0x10, s5  }
0xa: {  	s22 =	simm.s32 $0x0;
	[sflag:s4] =	ssyncpa.u1 $0x0;
	s5 =	sor.u32 s1, s5  }
0xb: {  	[sflag:s6] =	ssyncpa.u1 $0x0;
	s6 =	simm.s32 $0x1800;
	s11 =	smov.u32 s5  }
.LBB1_7:
0xc: {  	s16 =	sadd.s32 $0x80, s8  }
0xd: {  	s12 =	sadd.s32 $0x40, s9;
	s17 =	smov.u32 s9;
	p2 =	sgt.s32 s16, $0x2FF  }
0xe: {  	s17 =	smov.u32 @p2 s12  }
0xf: {  	s18 =	smov.u32 s10;
	s12 =	sadd.s32 $0x2, s10;
	p3 =	sgt.s32 s17, $0x3F  }
0x10: {  	s18 =	smov.u32 @p3 s12  }
0x11: {  	s19 =	smov.u32 s11;
	s12 =	sadd.s32 $0x20, s11;
	p4 =	sgt.s32 s18, $0x7  }
0x12: {  	p1 =	slt.u32 s7, $0x2;
	s19 =	smov.u32 @p4 s12  }
0x13: {  	s7 =	sadd.s32 $0x1, s7;
	s16 =	simm.s32 @p2 $0x0;
	p2 =	sgt.s32 s19, $0xBF  }
0x14: {  	s13 =	smov.u32 s8;
	s19 =	smov.u32 @p2 s5;
	p2 =	sne.s32 s7, $0x92  }
.Ltmp1:
0x15: {  	s15 =	smov.u32 s10;
	s20 =	simm.s32 @!p1 $0x2;
	(pc) =	sbr.rel @!p2 .LBB1_8-.Ltmp1, $4  }
0x16: {  	s14 =	smov.u32 s11;
	p0 =	por !p0, !p0;
	_ =	swait.ge @!p1 [sflag:s20], $0x4000  }
0x17: {  	[sflag:s20] =	ssyncset.done @!p1 $0x0;
	s8 =	smov.u32 s16;
	s17 =	simm.s32 @p3 $0x0  }
0x18: {  	[sflag:s20] =	ssyncadd.s32 @!p1 $0xFFFFC000;
	s18 =	simm.s32 @p4 $0x0;
	s12 =	smov.u32 s9  }
0x19: {  	s9 =	smov.u32 s17;
	s10 =	smov.u32 s18;
	s11 =	smov.u32 s19  }
.LBB1_1:
0x1a: {  	p1 =	sgt.u32 s7, $0x8F  }
0x1b: {  	s16 =	sshrl.u32 @!p1 s9, $0x3  }
0x1c: {  	s17 =	sshll.u32 @!p1 s8, $0x3;
	s16 =	smul.u32 @!p1 $0x1800, s16  }
0x1d: {  	s18 =	sshll.u32 @!p1 s9, $0x7;
	s17 =	sand.u32 @!p1 $0xFFFFFC00, s17  }
0x1e: {  	s16 =	sadd.s32 @!p1 s16, s17;
	s17 =	sand.u32 @!p1 $0x380, s18  }
0x1f: {  	s18 =	sand.u32 @!p1 $0x7F, s8;
	s16 =	sor.u32 @!p1 s17, s16  }
0x20: {  	s17 =	sor.u32 @!p1 s18, s16  }
0x21: {  	s18 =	smulhi.u32 @!p1 $0xAAAAAAAB, s17  }
0x22: {  	s16 =	smulhi.u32 @!p1 $0xAAAAAAAB, s16  }
0x23: {  	s20 =	smul.u32 @!p1 $0xC000, s11;
	s18 =	sshrl.u32 @!p1 s18, $0x9  }
0x24: {  	s19 =	sxor.u32 @!p1 $0xFFFFFFFF, s7;
	s16 =	sshrl.u32 @!p1 s16, $0x9;
	s18 =	smul.u32 @!p1 $0x300, s18  }
0x25: {  	s21 =	smul.u32 @!p1 $0x1800, s10;
	s19 =	sshll.u32 @!p1 s19, $0xE;
	s16 =	sand.u32 @!p1 $0x3F, s16  }
0x26: {  	s16 =	smul.u32 @!p1 $0x60, s16;
	s17 =	ssub.s32 @!p1 s17, s18;
	s18 =	sadd.s32 @!p1 s2, s20  }
0x27: {  	s19 =	sand.u32 @!p1 $0x4000, s19;
	s18 =	sadd.s32 @!p1 s21, s18;
	s20 =	sand.u32 @!p1 $0x7, s17  }
0x28: {  	s17 =	sshrl.u32 @!p1 s17, $0x3;
	s16 =	sadd.s32 @!p1 s16, s18;
	s18 =	sshll.u32 @!p1 s20, $0x12  }
0x29: {  	s16 =	sadd.s32 @!p1 s17, s16;
	s17 =	sor.u32 @!p1 $0x400, s18;
	s18 =	simm.s32 @!p1 $0x1800  }
0x2a: {  	[tilespmem:s19], [sflag:$0x1] =	stream.strided.gather @!p1 [hbm4b:s16+s17], $0x4000, s18, s17, $0x38;
	[tilespmem:$0x10000] =	vst v63  }
0x2b: {  	p1 =	seq.s32 s7, $0x0  }
0x2c: {  	p2 =	seq.s32 @!p1 s7, $0x91  }
0x2d: {  	p1 =	por p1, p2  }
.Ltmp2:
0x2e: {  	_ = 	snop;
	(pc) =	sbr.rel @p1 .LBB1_7-.Ltmp2, $1  }
0x2f: {  	_ =	sdelay $0x3  }
0x30: {  	s16 =	simm.s32 $0x1;
	_ =	swait.ge [sflag:s4], $0x4000  }
0x31: {  	s17 =	sshll.u32 s7, $0xE;
	s19 =	simm.s32 $0x0;
	s16 =	simm.s32 @!p0 $0x0  }
0x32: {  	p2 =	por $0x1, $0x1;
	[sflag:s4] =	ssyncset.done $0x0;
	s16 =	sshll.u32 s16, $0x10  }
0x33: {  	s17 =	sand.u32 $0x4000, s17;
	[sflag:s4] =	ssyncadd.s32 $0xFFFFC000;
	s18 =	sshrl.u32 s16, $0x2  }
0x34: {  	s16 =	sor.u32 $0x8000, s17;
	s17 =	sadd.s32 $0x8040, s18;
	s18 =	sadd.s32 $0x40, s18  }
.LBB1_3:
0x35: {  	s20 =	sshll.u32 s19, $0xD  }
0x36: {  	s20 =	sand.u32 $0x3FFFE000, s20  }
0x37: {  	s20 =	sadd.s32 s20, s18  }
0x38: {  	v0 =	vmov s20;
	_ =	sdelay $0x4  }
0x39: {  	v6 =	vld.idx.msk [tilespmem:v0+s22+$0x30 ss:$0x1], $0xffff  }
0x3a: {  	v7 =	vld.idx.msk [tilespmem:v0+s22+$0xFFFFFFC0 ss:$0x1], $0xffff  }
0x3b: {  	v1 =	vld.idx.msk [tilespmem:v0+s22+$0xFFFFFFD0 ss:$0x1], $0xffff  }
0x3c: {  	s31 =	sshll.u32 s19, $0x7;
	v2 =	vld.idx.msk [tilespmem:v0+s22+$0xFFFFFFE0 ss:$0x1], $0xffff  }
0x3d: {  	s19 =	sand.u32 $0x3FFFFF80, s31;
	v3 =	vld.idx.msk [tilespmem:v0+s22+$0xFFFFFFF0 ss:$0x1], $0xffff  }
0x3e: {  	s19 =	sadd.s32 s19, s17;
	v4 =	vld.idx.msk [tilespmem:v0+s22+$0x0 ss:$0x1], $0xffff  }
0x3f: {  	v5 =	vld.idx.msk [tilespmem:v0+s22+$0x10 ss:$0x1], $0xffff;
	[tilespmem:s19+$0x30] =	vst v6  }
0x40: {  	p1 =	por p2, p2;
	s21 =	simm.s32 $0x400;
	s20 =	simm.s32 $0x80;
	[tilespmem:s19+$0xFFFFFFC0] =	vst v7;
	v6 =	vld.idx.msk [tilespmem:v0+s22+$0x20 ss:$0x1], $0xffff  }
.LBB1_4:
0x41: {  	p2 =	sne.s32 s21, $0x7E00;
	v7 =	vld.idx.msk [tilespmem:v0+s20+$0x30 ss:$0x1], $0xffff;
	[tilespmem:s19+$0xFFFFFFD0] =	vst v1  }
0x42: {  	v8 =	vld.idx.msk [tilespmem:v0+s20+$0xFFFFFFC0 ss:$0x1], $0xffff;
	[tilespmem:s19+$0xFFFFFFE0] =	vst v2  }
0x43: {  	v1 =	vld.idx.msk [tilespmem:v0+s20+$0xFFFFFFD0 ss:$0x1], $0xffff;
	[tilespmem:s19+$0xFFFFFFF0] =	vst v3  }
.Ltmp3:
0x44: {  	v2 =	vld.idx.msk [tilespmem:v0+s20+$0xFFFFFFE0 ss:$0x1], $0xffff;
	[tilespmem:s19+$0x0] =	vst v4;
	(pc) =	sbr.rel @p2 .LBB1_4-.Ltmp3, $4  }
0x45: {  	v3 =	vld.idx.msk [tilespmem:v0+s20+$0xFFFFFFF0 ss:$0x1], $0xffff;
	[tilespmem:s19+$0x10] =	vst v5  }
0x46: {  	v4 =	vld.idx.msk [tilespmem:v0+s20+$0x0 ss:$0x1], $0xffff;
	[tilespmem:s19+$0x20] =	vst v6;
	s19 =	sadd.s32 $0x100, s19  }
0x47: {  	v5 =	vld.idx.msk [tilespmem:v0+s20+$0x10 ss:$0x1], $0xffff;
	[tilespmem:s19+$0x30] =	vst v7  }
0x48: {  	[tilespmem:s19+$0xFFFFFFC0] =	vst v8;
	v6 =	vld.idx.msk [tilespmem:v0+s20+$0x20 ss:$0x1], $0xffff;
	s20 =	sshra.s32 s21, $0x2;
	s21 =	sadd.s32 $0x200, s21  }
0x49: {  	_ =	sdelay $0x2  }
0x4a: {  	[tilespmem:s19+$0xFFFFFFD0] =	vst v1  }
0x4b: {  	v56 =	vld.idx.msk [tilespmem:v0+s20+$0x30 ss:$0x1], $0xffff;
	[tilespmem:s19+$0xFFFFFFE0] =	vst v2  }
0x4c: {  	v57 =	vld.idx.msk [tilespmem:v0+s20+$0xFFFFFFC0 ss:$0x1], $0xffff;
	[tilespmem:s19+$0xFFFFFFF0] =	vst v3  }
0x4d: {  	v58 =	vld.idx.msk [tilespmem:v0+s20+$0xFFFFFFD0 ss:$0x1], $0xffff;
	[tilespmem:s19+$0x0] =	vst v4  }
0x4e: {  	v59 =	vld.idx.msk [tilespmem:v0+s20+$0xFFFFFFE0 ss:$0x1], $0xffff;
	[tilespmem:s19+$0x10] =	vst v5  }
0x4f: {  	v60 =	vld.idx.msk [tilespmem:v0+s20+$0xFFFFFFF0 ss:$0x1], $0xffff;
	s31 =	sadd.s32 $0x100, s19;
	[tilespmem:s19+$0x20] =	vst v6  }
0x50: {  	v61 =	vld.idx.msk [tilespmem:v0+s20+$0x0 ss:$0x1], $0xffff;
	[tilespmem:s31+$0x30] =	vst v56  }
0x51: {  	v62 =	vld.idx.msk [tilespmem:v0+s20+$0x10 ss:$0x1], $0xffff;
	[tilespmem:s31+$0xFFFFFFC0] =	vst v57  }
0x52: {  	v63 =	vld.idx.msk [tilespmem:v0+s20+$0x20 ss:$0x1], $0xffff;
	[tilespmem:s31+$0xFFFFFFD0] =	vst v58  }
.Ltmp4:
0x53: {  	[tilespmem:s31+$0xFFFFFFE0] =	vst v59;
	(pc) =	sbr.rel @p1 .LBB1_3-.Ltmp4, $4  }
0x54: {  	[tilespmem:s31+$0xFFFFFFF0] =	vst v60  }
0x55: {  	[tilespmem:s31+$0x0] =	vst v61  }
0x56: {  	[tilespmem:s31+$0x10] =	vst v62  }
0x57: {  	p2 =	por $0x0, $0x0;
	s19 =	simm.s32 $0x1;
	[tilespmem:s31+$0x20] =	vst v63  }
0x58: {  	s17 =	sshrl.u32 s15, $0x3  }
0x59: {  	s18 =	sshll.u32 s13, $0x3;
	s17 =	smul.u32 $0x1800, s17  }
0x5a: {  	s27 =	sshll.u32 s15, $0x7;
	s18 =	sand.u32 $0xFFFFFC00, s18  }
0x5b: {  	s15 =	sand.u32 $0x380, s27;
	s17 =	sadd.s32 s17, s18  }
0x5c: {  	s28 =	sand.u32 $0x7F, s13;
	s15 =	sor.u32 s15, s17  }
0x5d: {  	s13 =	sor.u32 s28, s15;
	s15 =	smulhi.u32 $0xAAAAAAAB, s15  }
0x5e: {  	s29 =	smulhi.u32 $0xAAAAAAAB, s13  }
0x5f: {  	s14 =	smul.u32 $0xC000, s14  }
0x60: {  	s12 =	smul.u32 $0x300, s12;
	s15 =	sshrl.u32 s15, $0x9;
	s17 =	sshrl.u32 s29, $0x9  }
0x61: {  	s15 =	sand.u32 $0x7, s15;
	s17 =	smul.u32 $0x300, s17  }
0x62: {  	s15 =	smul.u32 $0x60, s15  }
.Ltmp5:
0x63: {  	s14 =	sadd.s32 s3, s14;
	s13 =	ssub.s32 s13, s17;
	(pc) =	sbr.rel .LBB1_7-.Ltmp5, $4  }
0x64: {  	s12 =	sadd.s32 s12, s14;
	s30 =	sand.u32 $0x7, s13  }
0x65: {  	s12 =	sadd.s32 s15, s12;
	s13 =	sshrl.u32 s13, $0x3;
	s14 =	sshll.u32 s30, $0x12  }
0x66: {  	s12 =	sadd.s32 s13, s12;
	s31 =	sor.u32 $0x100, s14  }
0x67: {  	[hbm4b:s12+s31] =	stream.strided.scatter [tilespmem:s16], [sflag:$0x2], $0x4000, s6, s31, $0x38;
	[tilespmem:$0x10000] =	vst v63  }
.LBB1_8:
0x68: {  	_ =	sfence.sel $0x180000  }
0x69: {  	s2 =	simm.s32 $0x1;
	[bflag:$0x0] =	sbarrier.arrive $0xFFFF  }
0x6a: {  	s31 =	simm.s32 $0x2;
	[sflag:s2] =	ssyncpa.u1 $0x1  }
0x6b: {  	[sflag:s31] =	ssyncpa.u1 $0x1  }
0x6c: {  	p0 =	sne.s32 s1, $0x0;
	_ =	strace $0x9000004A  }
0x6d: {  	s0 =	sadd.s32 @!p0 $0x100000, s0;
	[bflag:$0x2] =	sbarrier.arrive $0xFFFF  }
0x6e: {  	[sflag:s0] =	ssyncadd.tile.s32 @!p0 $0x1;
	_ =	shalt  }
.Lfunc_end1:
_tile_overlayer_lowered:
.L_overlay_start_2:
0x6f: {  	(tag) =	ssettag $0x2  }
0x70: {  	s0 =	rddreg [dreg:$0x0];
	s2 =	stileid.u32  }
0x71: {  	s1 =	rddreg [dreg:$0x1];
	p0 =	sne.s32 s2, $0x0  }
0x72: {  	s3 =	rddreg [dreg:$0x2];
	[bflag:$0x3] =	sbarrier.arrive $0xFFFF;
	s2 =	simm.s32 @!p0 $0x1C01  }
0x73: {  	[timem:s3], [sflag:s2] =	dma.local @!p0 [hbm:s0], s1  }
0x74: {  	s0 =	simm.s32 @!p0 $0x1  }
0x75: {  	_ =	swait.ge @!p0 [sflag:s0], s1  }
0x76: {  	s1 =	ssub.s32 @!p0 $0x0, s1;
	[sflag:s0] =	ssyncset.done @!p0 $0x0  }
0x77: {  	[sflag:s0] =	ssyncadd.s32 @!p0 s1  }
0x78: {  	[bflag:$0x3] =	sbarrier.arrive $0xFFFF  }
0x79: {  	_ =	shalt  }

// kernel: sparse-core-data-format-call.cloned.1.call-start
scs
called_computation_lowered:
.L_overlay_start_0:
0x0: {  	s2 =	sld [smem:$0x3FD9]  }
0x1: {  	s3 =	sld [smem:$0x3FFE];
	_ =	sdelay $0x1  }
0x2: {  	s1 =	srdreg.scid  }
0x3: {  	s0 =	sand.u32 $0x1, s1  }
0x4: {  	s18 =	sshll.u32 s0, $0xA;
	s2 =	sadd.s32 s3, s2  }
0x5: {  	s2 =	sadd.s32 s2, s18  }
0x6: {  	[smem:$0x3FC2] =	sst s2  }
0x7: {  	_ = 	snop  }
0x8: {  	s19 =	sld [smem:$0x3FC5];
	(tm) =	ssettm $0x1  }
0x9: {  	s20 =	sld [smem:$0x3FFB];
	_ =	sdelay $0x3  }
0xa: {  	_ =	strace s20  }
0xb: {  	s2 =	sld [smem:$0x3FFC];
	_ =	sdelay $0x3  }
0xc: {  	_ =	strace s2  }
0xd: {  	s2 =	sld [smem:$0x3FFD];
	_ =	sdelay $0x3  }
0xe: {  	_ =	strace s2  }
0xf: {  	_ =	strace $0x8FFFFFFF  }
0x10: {  	s21 =	sld [smem:$0x3FDB];
	_ =	sdelay $0x1  }
0x11: {  	s4 =	simm.s32 $_scs_section_size  }
0x12: {  	s5 =	simm.s32 $_size__tile_overlayer_lowered;
	s6 =	simm.s32 $_tile_overlayer_lowered  }
0x13: {  	s7 =	simm.s32 $0x1BFF;
	s22 =	sshll.u32 s6, $0x1;
	s4 =	sadd.s32 s4, s21  }
0x14: {  	s23 =	simm.s32 $0x0;
	s5 =	sshll.u32 s5, $0x1;
	s6 =	sadd.s32 s22, s4  }
0x15: {  	[timem:s23], [sflag:s7] =	dma.local [hbm:s6], s5  }
0x16: {  	_ =	swait.ge [sflag:s7], s5  }
0x17: {  	s5 =	ssub.s32 $0x0, s5;
	[sflag:s7] =	ssyncset.done $0x0  }
0x18: {  	[sflag:s7] =	ssyncadd.s32 s5;
	_ =	sdelay $0x1  }
0x19: {  	s24 =	simm.s32 $0x1B8B  }
0x1a: {  	_ =	swait.ge [sflag:s24], $0x1  }
0x1b: {  	[sflag:s24] =	ssyncset.done $0x0  }
0x1c: {  	[sflag:s24] =	ssyncadd.s32 $0xFFFFFFFF  }
0x1d: {  	s5 =	sld [smem:$0x0]  }
0x1e: {  	s6 =	sand.u32 $0xFFFFFFFE, s1  }
0x1f: {  	p0 =	sne.s32 s1, s6  }
0x20: {  	s6 =	sshll.u32 @p0 s6, $0xE  }
0x21: {  	s6 =	sadd.s32 @p0 $0x11B8D, s6;
	s7 =	sshll.u32 @p0 s5, $0x11  }
0x22: {  	s6 =	sor.u32 @p0 s7, s6  }
0x23: {  	[sflag:s6] =	ssyncadd.remote.s32 @p0 $0x1;
	_ =	sdelay $0x1  }
0x24: {  	s6 =	simm.s32 @p0 $0x1B8D  }
0x25: {  	_ =	swait.eq @p0 [sflag:s6], $0x1  }
0x26: {  	[sflag:s6] =	ssyncadd.s32 @p0 $0xFFFFFFFF  }
0x27: {  	s7 =	sshll.u32 @!p0 s1, $0xE  }
0x28: {  	s7 =	sor.u32 @!p0 $0x4000, s7;
	s6 =	simm.s32 @!p0 $0x1B8D  }
0x29: {  	s5 =	sshll.u32 @!p0 s5, $0x11;
	s7 =	sadd.s32 @!p0 $0x11B8D, s7;
	_ =	swait.eq @!p0 [sflag:s6], $0x1  }
0x2a: {  	s5 =	sor.u32 @!p0 s5, s7;
	[sflag:s6] =	ssyncadd.s32 @!p0 $0xFFFFFFFF  }
0x2b: {  	s26 =	simm.s32 $0x1B8E;
	s25 =	sld [smem:$0x3FFE];
	[sflag:s5] =	ssyncadd.remote.s32 @!p0 $0x1  }
0x2c: {  	s27 =	simm.s32 $execute0_lowered;
	[smem:$0x3FD2] =	sst s26  }
0x2d: {  	s6 =	sshll.u32 s27, $0x1;
	_ =	strace $0x8000004C;
	[dreg:$0x1] =	wrdreg $0xFFFFFFFF  }
0x2e: {  	s28 =	simm.s32 $_size_execute0_lowered;
	s4 =	sadd.s32 s4, s6;
	[dreg:$0x0] =	wrdreg $0x0  }
0x2f: {  	s6 =	sshll.u32 s28, $0x1;
	[dreg:$0x2] =	wrdreg s4  }
0x30: {  	[dreg:$0x3] =	wrdreg s6  }
0x31: {  	[dreg:$0x4] =	wrdreg $0xC0  }
0x32: {  	_ =	task [dreg:s23], $0x5FFFF  }
0x33: {  	[dreg:$0x1] =	wrdreg $0xFFFFFFFF  }
0x34: {  	[dreg:$0x0] =	wrdreg $0x60  }
0x35: {  	[dreg:$0x2] =	wrdreg s19  }
0x36: {  	[dreg:$0x3] =	wrdreg s25  }
0x37: {  	[dreg:$0x4] =	wrdreg $0x9  }
0x38: {  	_ =	task.clear_ibuf [dreg:s23], $0x5FFFF;
	_ =	strace $0x9000004C  }
0x39: {  	s29 =	simm.s32 $0x9;
	_ =	strace $0x8000004E  }
0x3a: {  	_ =	swait.ge [sflag:s29], $0x1  }
0x3b: {  	[sflag:s29] =	ssyncadd.s32 $0xFFFFFFFF  }
0x3c: {  	_ =	strace $0x9000004E  }
0x3d: {  	_ =	sfence  }
0x3e: {  	s30 =	sld [smem:$0x0];
	_ =	sdelay $0x2  }
0x3f: {  	s31 =	sshll.u32 s1, $0xD;
	s1 =	sshrl.u32 s1, $0x2  }
0x40: {  	s4 =	sand.u32 $0x4000, s31;
	s1 =	sadd.s32 s1, s30  }
0x41: {  	s0 =	sor.u32 s4, s0;
	s1 =	sshll.u32 s1, $0x11  }
0x42: {  	s0 =	sor.u32 s1, s0  }
0x43: {  	s0 =	sadd.s32 $0x8F2B, s0  }
0x44: {  	[sflag:s0] =	ssyncadd.remote.s32 $0x1  }
0x45: {  	_ =	sfence.sel $0xFFFF  }
0x46: {  	[dreg:$0x0] =	wrdreg $0xFFFFFFFF;
	(pc) =	sbr.abs _section_cstart, $3  }
0x47: {  	[dreg:$0x1] =	wrdreg $0xFFFFFFFF  }
0x48: {  	_ =	task.clear_ibuf [dreg:s23], $0x2FFFF;
	_ =	strace $0x9FFFFFFF  }
0x49: {  	(tm) =	ssettm $0x7FFFFFFF  }
tec
execute0_lowered:
.L_overlay_start_1:
0x0: {  	(tag) =	ssettag $0x1  }
0x1: {  	s2 =	rddreg [dreg:$0x0]  }
0x2: {  	s1 =	rddreg [dreg:$0x1]  }
0x3: {  	s0 =	rddreg [dreg:$0x2]  }
0x4: {  	_ =	strace $0x8000004D;
	s4 =	srdreg.scid;
	s6 =	simm.s32 $0x2  }
0x5: {  	s13 =	simm.s32 $0x0;
	p0 =	por $0x0, $0x0;
	s12 =	simm.s32 $0x0  }
0x6: {  	s15 =	simm.s32 $0x0;
	s14 =	simm.s32 $0x0;
	s8 =	simm.s32 $0x0  }
.Ltmp0:
0x7: {  	s9 =	simm.s32 $0x0;
	s10 =	simm.s32 $0x0;
	(pc) =	sbr.rel .LBB1_1-.Ltmp0, $4  }
0x8: {  	s7 =	simm.s32 $0x0;
	s3 =	sadd.s32 $0x908600, s1;
	s5 =	sshll.u32 s4, $0x4  }
0x9: {  	s1 =	stileid.u32;
	s4 =	simm.s32 $0x1;
	s5 =	sand.u32 $0x10, s5  }
0xa: {  	s22 =	simm.s32 $0x0;
	[sflag:s4] =	ssyncpa.u1 $0x0;
	s5 =	sor.u32 s1, s5  }
0xb: {  	[sflag:s6] =	ssyncpa.u1 $0x0;
	s6 =	simm.s32 $0x3000;
	s11 =	smov.u32 s5  }
.LBB1_7:
0xc: {  	s16 =	sadd.s32 $0x80, s8  }
0xd: {  	s12 =	sadd.s32 $0x40, s9;
	s17 =	smov.u32 s9;
	p2 =	sgt.s32 s16, $0x5FF  }
0xe: {  	s17 =	smov.u32 @p2 s12  }
0xf: {  	s18 =	smov.u32 s10;
	s12 =	sadd.s32 $0x2, s10;
	p3 =	sgt.s32 s17, $0x3F  }
0x10: {  	s18 =	smov.u32 @p3 s12  }
0x11: {  	s19 =	smov.u32 s11;
	s12 =	sadd.s32 $0x20, s11;
	p4 =	sgt.s32 s18, $0x7  }
0x12: {  	p1 =	slt.u32 s7, $0x2;
	s19 =	smov.u32 @p4 s12  }
0x13: {  	s7 =	sadd.s32 $0x1, s7;
	s16 =	simm.s32 @p2 $0x0;
	p2 =	sgt.s32 s19, $0x5F  }
0x14: {  	s13 =	smov.u32 s8;
	s19 =	smov.u32 @p2 s5;
	p2 =	sne.s32 s7, $0x92  }
.Ltmp1:
0x15: {  	s15 =	smov.u32 s10;
	s20 =	simm.s32 @!p1 $0x2;
	(pc) =	sbr.rel @!p2 .LBB1_8-.Ltmp1, $4  }
0x16: {  	s14 =	smov.u32 s11;
	p0 =	por !p0, !p0;
	_ =	swait.ge @!p1 [sflag:s20], $0x4000  }
0x17: {  	[sflag:s20] =	ssyncset.done @!p1 $0x0;
	s8 =	smov.u32 s16;
	s17 =	simm.s32 @p3 $0x0  }
0x18: {  	[sflag:s20] =	ssyncadd.s32 @!p1 $0xFFFFC000;
	s18 =	simm.s32 @p4 $0x0;
	s12 =	smov.u32 s9  }
0x19: {  	s9 =	smov.u32 s17;
	s10 =	smov.u32 s18;
	s11 =	smov.u32 s19  }
.LBB1_1:
0x1a: {  	p1 =	sgt.u32 s7, $0x8F  }
0x1b: {  	s16 =	sshrl.u32 @!p1 s9, $0x3  }
0x1c: {  	s17 =	sshll.u32 @!p1 s8, $0x3;
	s16 =	smul.u32 @!p1 $0x3000, s16  }
0x1d: {  	s18 =	sshll.u32 @!p1 s9, $0x7;
	s17 =	sand.u32 @!p1 $0xFFFFFC00, s17  }
0x1e: {  	s16 =	sadd.s32 @!p1 s16, s17;
	s17 =	sand.u32 @!p1 $0x380, s18  }
0x1f: {  	s18 =	sand.u32 @!p1 $0x7F, s8;
	s16 =	sor.u32 @!p1 s17, s16  }
0x20: {  	s17 =	sor.u32 @!p1 s18, s16  }
0x21: {  	s18 =	smulhi.u32 @!p1 $0xAAAAAAAB, s17  }
0x22: {  	s16 =	smulhi.u32 @!p1 $0xAAAAAAAB, s16  }
0x23: {  	s20 =	smul.u32 @!p1 $0x18000, s11;
	s18 =	sshrl.u32 @!p1 s18, $0xA  }
0x24: {  	s19 =	sxor.u32 @!p1 $0xFFFFFFFF, s7;
	s16 =	sshrl.u32 @!p1 s16, $0xA;
	s18 =	smul.u32 @!p1 $0x600, s18  }
0x25: {  	s21 =	smul.u32 @!p1 $0x3000, s10;
	s19 =	sshll.u32 @!p1 s19, $0xE;
	s16 =	sand.u32 @!p1 $0x3F, s16  }
0x26: {  	s16 =	smul.u32 @!p1 $0xC0, s16;
	s17 =	ssub.s32 @!p1 s17, s18;
	s18 =	sadd.s32 @!p1 s2, s20  }
0x27: {  	s19 =	sand.u32 @!p1 $0x4000, s19;
	s18 =	sadd.s32 @!p1 s21, s18;
	s20 =	sand.u32 @!p1 $0x7, s17  }
0x28: {  	s17 =	sshrl.u32 @!p1 s17, $0x3;
	s16 =	sadd.s32 @!p1 s16, s18;
	s18 =	sshll.u32 @!p1 s20, $0x12  }
0x29: {  	s16 =	sadd.s32 @!p1 s17, s16;
	s17 =	sor.u32 @!p1 $0x400, s18;
	s18 =	simm.s32 @!p1 $0x3000  }
0x2a: {  	[tilespmem:s19], [sflag:$0x1] =	stream.strided.gather @!p1 [hbm4b:s16+s17], $0x4000, s18, s17, $0x38;
	[tilespmem:$0x10000] =	vst v63  }
0x2b: {  	p1 =	seq.s32 s7, $0x0  }
0x2c: {  	p2 =	seq.s32 @!p1 s7, $0x91  }
0x2d: {  	p1 =	por p1, p2  }
.Ltmp2:
0x2e: {  	_ = 	snop;
	(pc) =	sbr.rel @p1 .LBB1_7-.Ltmp2, $1  }
0x2f: {  	_ =	sdelay $0x3  }
0x30: {  	s16 =	simm.s32 $0x1;
	_ =	swait.ge [sflag:s4], $0x4000  }
0x31: {  	s17 =	sshll.u32 s7, $0xE;
	s19 =	simm.s32 $0x0;
	s16 =	simm.s32 @!p0 $0x0  }
0x32: {  	p2 =	por $0x1, $0x1;
	[sflag:s4] =	ssyncset.done $0x0;
	s16 =	sshll.u32 s16, $0x10  }
0x33: {  	s17 =	sand.u32 $0x4000, s17;
	[sflag:s4] =	ssyncadd.s32 $0xFFFFC000;
	s18 =	sshrl.u32 s16, $0x2  }
0x34: {  	s16 =	sor.u32 $0x8000, s17;
	s17 =	sadd.s32 $0x8040, s18;
	s18 =	sadd.s32 $0x40, s18  }
.LBB1_3:
0x35: {  	s20 =	sshll.u32 s19, $0xD  }
0x36: {  	s20 =	sand.u32 $0x3FFFE000, s20  }
0x37: {  	s20 =	sadd.s32 s20, s18  }
0x38: {  	v0 =	vmov s20;
	_ =	sdelay $0x4  }
0x39: {  	v6 =	vld.idx.msk [tilespmem:v0+s22+$0x30 ss:$0x1], $0xffff  }
0x3a: {  	v7 =	vld.idx.msk [tilespmem:v0+s22+$0xFFFFFFC0 ss:$0x1], $0xffff  }
0x3b: {  	v1 =	vld.idx.msk [tilespmem:v0+s22+$0xFFFFFFD0 ss:$0x1], $0xffff  }
0x3c: {  	s31 =	sshll.u32 s19, $0x7;
	v2 =	vld.idx.msk [tilespmem:v0+s22+$0xFFFFFFE0 ss:$0x1], $0xffff  }
0x3d: {  	s19 =	sand.u32 $0x3FFFFF80, s31;
	v3 =	vld.idx.msk [tilespmem:v0+s22+$0xFFFFFFF0 ss:$0x1], $0xffff  }
0x3e: {  	s19 =	sadd.s32 s19, s17;
	v4 =	vld.idx.msk [tilespmem:v0+s22+$0x0 ss:$0x1], $0xffff  }
0x3f: {  	v5 =	vld.idx.msk [tilespmem:v0+s22+$0x10 ss:$0x1], $0xffff;
	[tilespmem:s19+$0x30] =	vst v6  }
0x40: {  	p1 =	por p2, p2;
	s21 =	simm.s32 $0x400;
	s20 =	simm.s32 $0x80;
	[tilespmem:s19+$0xFFFFFFC0] =	vst v7;
	v6 =	vld.idx.msk [tilespmem:v0+s22+$0x20 ss:$0x1], $0xffff  }
.LBB1_4:
0x41: {  	p2 =	sne.s32 s21, $0x7E00;
	v7 =	vld.idx.msk [tilespmem:v0+s20+$0x30 ss:$0x1], $0xffff;
	[tilespmem:s19+$0xFFFFFFD0] =	vst v1  }
0x42: {  	v8 =	vld.idx.msk [tilespmem:v0+s20+$0xFFFFFFC0 ss:$0x1], $0xffff;
	[tilespmem:s19+$0xFFFFFFE0] =	vst v2  }
0x43: {  	v1 =	vld.idx.msk [tilespmem:v0+s20+$0xFFFFFFD0 ss:$0x1], $0xffff;
	[tilespmem:s19+$0xFFFFFFF0] =	vst v3  }
.Ltmp3:
0x44: {  	v2 =	vld.idx.msk [tilespmem:v0+s20+$0xFFFFFFE0 ss:$0x1], $0xffff;
	[tilespmem:s19+$0x0] =	vst v4;
	(pc) =	sbr.rel @p2 .LBB1_4-.Ltmp3, $4  }
0x45: {  	v3 =	vld.idx.msk [tilespmem:v0+s20+$0xFFFFFFF0 ss:$0x1], $0xffff;
	[tilespmem:s19+$0x10] =	vst v5  }
0x46: {  	v4 =	vld.idx.msk [tilespmem:v0+s20+$0x0 ss:$0x1], $0xffff;
	[tilespmem:s19+$0x20] =	vst v6;
	s19 =	sadd.s32 $0x100, s19  }
0x47: {  	v5 =	vld.idx.msk [tilespmem:v0+s20+$0x10 ss:$0x1], $0xffff;
	[tilespmem:s19+$0x30] =	vst v7  }
0x48: {  	[tilespmem:s19+$0xFFFFFFC0] =	vst v8;
	v6 =	vld.idx.msk [tilespmem:v0+s20+$0x20 ss:$0x1], $0xffff;
	s20 =	sshra.s32 s21, $0x2;
	s21 =	sadd.s32 $0x200, s21  }
0x49: {  	_ =	sdelay $0x2  }
0x4a: {  	[tilespmem:s19+$0xFFFFFFD0] =	vst v1  }
0x4b: {  	v56 =	vld.idx.msk [tilespmem:v0+s20+$0x30 ss:$0x1], $0xffff;
	[tilespmem:s19+$0xFFFFFFE0] =	vst v2  }
0x4c: {  	v57 =	vld.idx.msk [tilespmem:v0+s20+$0xFFFFFFC0 ss:$0x1], $0xffff;
	[tilespmem:s19+$0xFFFFFFF0] =	vst v3  }
0x4d: {  	v58 =	vld.idx.msk [tilespmem:v0+s20+$0xFFFFFFD0 ss:$0x1], $0xffff;
	[tilespmem:s19+$0x0] =	vst v4  }
0x4e: {  	v59 =	vld.idx.msk [tilespmem:v0+s20+$0xFFFFFFE0 ss:$0x1], $0xffff;
	[tilespmem:s19+$0x10] =	vst v5  }
0x4f: {  	v60 =	vld.idx.msk [tilespmem:v0+s20+$0xFFFFFFF0 ss:$0x1], $0xffff;
	s31 =	sadd.s32 $0x100, s19;
	[tilespmem:s19+$0x20] =	vst v6  }
0x50: {  	v61 =	vld.idx.msk [tilespmem:v0+s20+$0x0 ss:$0x1], $0xffff;
	[tilespmem:s31+$0x30] =	vst v56  }
0x51: {  	v62 =	vld.idx.msk [tilespmem:v0+s20+$0x10 ss:$0x1], $0xffff;
	[tilespmem:s31+$0xFFFFFFC0] =	vst v57  }
0x52: {  	v63 =	vld.idx.msk [tilespmem:v0+s20+$0x20 ss:$0x1], $0xffff;
	[tilespmem:s31+$0xFFFFFFD0] =	vst v58  }
.Ltmp4:
0x53: {  	[tilespmem:s31+$0xFFFFFFE0] =	vst v59;
	(pc) =	sbr.rel @p1 .LBB1_3-.Ltmp4, $4  }
0x54: {  	[tilespmem:s31+$0xFFFFFFF0] =	vst v60  }
0x55: {  	[tilespmem:s31+$0x0] =	vst v61  }
0x56: {  	[tilespmem:s31+$0x10] =	vst v62  }
0x57: {  	p2 =	por $0x0, $0x0;
	s19 =	simm.s32 $0x1;
	[tilespmem:s31+$0x20] =	vst v63  }
0x58: {  	s17 =	sshrl.u32 s15, $0x3  }
0x59: {  	s18 =	sshll.u32 s13, $0x3;
	s17 =	smul.u32 $0x3000, s17  }
0x5a: {  	s27 =	sshll.u32 s15, $0x7;
	s18 =	sand.u32 $0xFFFFFC00, s18  }
0x5b: {  	s15 =	sand.u32 $0x380, s27;
	s17 =	sadd.s32 s17, s18  }
0x5c: {  	s28 =	sand.u32 $0x7F, s13;
	s15 =	sor.u32 s15, s17  }
0x5d: {  	s13 =	sor.u32 s28, s15;
	s15 =	smulhi.u32 $0xAAAAAAAB, s15  }
0x5e: {  	s29 =	smulhi.u32 $0xAAAAAAAB, s13  }
0x5f: {  	s14 =	smul.u32 $0x18000, s14  }
0x60: {  	s12 =	smul.u32 $0x600, s12;
	s15 =	sshrl.u32 s15, $0xA;
	s17 =	sshrl.u32 s29, $0xA  }
0x61: {  	s15 =	sand.u32 $0x7, s15;
	s17 =	smul.u32 $0x600, s17  }
0x62: {  	s15 =	smul.u32 $0xC0, s15  }
.Ltmp5:
0x63: {  	s14 =	sadd.s32 s3, s14;
	s13 =	ssub.s32 s13, s17;
	(pc) =	sbr.rel .LBB1_7-.Ltmp5, $4  }
0x64: {  	s12 =	sadd.s32 s12, s14;
	s30 =	sand.u32 $0x7, s13  }
0x65: {  	s12 =	sadd.s32 s15, s12;
	s13 =	sshrl.u32 s13, $0x3;
	s14 =	sshll.u32 s30, $0x12  }
0x66: {  	s12 =	sadd.s32 s13, s12;
	s31 =	sor.u32 $0x100, s14  }
0x67: {  	[hbm4b:s12+s31] =	stream.strided.scatter [tilespmem:s16], [sflag:$0x2], $0x4000, s6, s31, $0x38;
	[tilespmem:$0x10000] =	vst v63  }
.LBB1_8:
0x68: {  	_ =	sfence.sel $0x180000  }
0x69: {  	s2 =	simm.s32 $0x1;
	[bflag:$0x0] =	sbarrier.arrive $0xFFFF  }
0x6a: {  	s31 =	simm.s32 $0x2;
	[sflag:s2] =	ssyncpa.u1 $0x1  }
0x6b: {  	[sflag:s31] =	ssyncpa.u1 $0x1  }
0x6c: {  	p0 =	sne.s32 s1, $0x0;
	_ =	strace $0x9000004D  }
0x6d: {  	s0 =	sadd.s32 @!p0 $0x100000, s0;
	[bflag:$0x2] =	sbarrier.arrive $0xFFFF  }
0x6e: {  	[sflag:s0] =	ssyncadd.tile.s32 @!p0 $0x1;
	_ =	shalt  }
.Lfunc_end1:
_tile_overlayer_lowered:
.L_overlay_start_2:
0x6f: {  	(tag) =	ssettag $0x2  }
0x70: {  	s0 =	rddreg [dreg:$0x0];
	s2 =	stileid.u32  }
0x71: {  	s1 =	rddreg [dreg:$0x1];
	p0 =	sne.s32 s2, $0x0  }
0x72: {  	s3 =	rddreg [dreg:$0x2];
	[bflag:$0x3] =	sbarrier.arrive $0xFFFF;
	s2 =	simm.s32 @!p0 $0x1C01  }
0x73: {  	[timem:s3], [sflag:s2] =	dma.local @!p0 [hbm:s0], s1  }
0x74: {  	s0 =	simm.s32 @!p0 $0x1  }
0x75: {  	_ =	swait.ge @!p0 [sflag:s0], s1  }
0x76: {  	s1 =	ssub.s32 @!p0 $0x0, s1;
	[sflag:s0] =	ssyncset.done @!p0 $0x0  }
0x77: {  	[sflag:s0] =	ssyncadd.s32 @!p0 s1  }
0x78: {  	[bflag:$0x3] =	sbarrier.arrive $0xFFFF  }
0x79: {  	_ =	shalt  }

</sc_bundles>
